<compile_context>
chip_gen: v7x
topology: tpu7x:2x2x1
jax: 0.10.2.dev20260603
libtpu: 0.0.44.dev20260713+nightly
codegen_flags: <defaults>
</compile_context>

<pallas_src>
import functools

import jax
import jax.numpy as jnp
from jax import lax
from jax.experimental import pallas as pl
from jax.experimental.pallas import tpu as pltpu
from jax.experimental.pallas import tpu_sc as plsc

N = 10000
E = 320000
H = 128
VOCAB = 10000

NC = 2
NS = 16
NW = NC * NS

CH_A = 80
NCH_A = N // CH_A
MAXJ_A = -(-NCH_A // NW)


def _gather_body(emb_hbm, tidx_hbm, h_hbm, idx_v, rows_v, sem):
    c = lax.axis_index("c")
    s = lax.axis_index("s")
    w = s * NC + c
    for j in range(MAXJ_A):
        cid = w + NW * j

        @pl.when(cid < NCH_A)
        def _():
            off = pl.multiple_of(cid * CH_A, 8)
            pltpu.sync_copy(tidx_hbm.at[pl.ds(off, CH_A)], idx_v)
            pltpu.async_copy(emb_hbm.at[idx_v], rows_v, sem).wait()
            pltpu.sync_copy(rows_v, h_hbm.at[pl.ds(off, CH_A)])


def _gather_h(emb, text_idx):
    mesh = plsc.VectorSubcoreMesh(core_axis_name="c", subcore_axis_name="s")
    return pl.kernel(
        _gather_body,
        out_type=jax.ShapeDtypeStruct((N, H), jnp.float32),
        mesh=mesh,
        scratch_types=[
            pltpu.VMEM((CH_A,), jnp.int32),
            pltpu.VMEM((CH_A, H), jnp.float32),
            pltpu.SemaphoreType.DMA,
        ],
    )(emb, text_idx)


RW = (-(-E // (NW * 128)) + 15) // 16 * 16
E_PAD = NW * RW * 128
RPS = 624
RPS_LAST = N - RPS * (NS - 1)
NDUMMY = 64
ACC_ROWS = N + NDUMMY


def _scatter_body(hw_hbm, src_hbm, dst_hbm, zeros_hbm, out_hbm,
                  sidx, didx, rows0, rows1, acc, sem0, sem1):
    c = lax.axis_index("c")
    s = lax.axis_index("s")
    w = s * NC + c
    row0 = pl.multiple_of(s * RPS, 8)
    @pl.when(s < NS - 1)
    def _():
        pltpu.sync_copy(zeros_hbm.at[pl.ds(0, RPS)], acc.at[pl.ds(row0, RPS)])

    @pl.when(s == NS - 1)
    def _():
        pltpu.sync_copy(zeros_hbm, acc.at[pl.ds(row0, RPS_LAST)])

    plsc.subcore_barrier()

    HRW = RW // 2
    for t in range(2):
        pltpu.sync_copy(src_hbm.at[w, pl.ds(t * HRW, HRW)], sidx)
        pltpu.sync_copy(dst_hbm.at[w, pl.ds(t * HRW, HRW)], didx)
        pltpu.async_copy(hw_hbm.at[sidx.at[0]], rows0, sem0)

        def body(p, carry):
            k = 2 * p
            pltpu.async_copy(hw_hbm.at[sidx.at[k + 1]], rows1, sem1)
            pltpu.make_async_copy(hw_hbm.at[sidx.at[k]], rows0, sem0).wait()
            pltpu.sync_copy(rows0, acc.at[didx.at[k]], add=True)

            @pl.when(p < HRW // 2 - 1)
            def _():
                pltpu.async_copy(hw_hbm.at[sidx.at[k + 2]], rows0, sem0)

            pltpu.make_async_copy(hw_hbm.at[sidx.at[k + 1]], rows1, sem1).wait()
            pltpu.sync_copy(rows1, acc.at[didx.at[k + 1]], add=True)
            return carry

        lax.fori_loop(0, HRW // 2, body, 0)
    plsc.subcore_barrier()

    @pl.when(s < NS - 1)
    def _():
        pltpu.sync_copy(acc.at[pl.ds(row0, RPS)], out_hbm.at[c, pl.ds(row0, RPS)])

    @pl.when(s == NS - 1)
    def _():
        pltpu.sync_copy(acc.at[pl.ds(row0, RPS_LAST)],
                        out_hbm.at[c, pl.ds(row0, RPS_LAST)])


def _edge_scatter(hw, src3d, dst3d, zeros):
    mesh = plsc.VectorSubcoreMesh(core_axis_name="c", subcore_axis_name="s")
    return pl.kernel(
        _scatter_body,
        out_type=jax.ShapeDtypeStruct((NC, N, H), jnp.float32),
        mesh=mesh,
        scratch_types=[
            pltpu.VMEM((RW // 2, 128), jnp.int32),
            pltpu.VMEM((RW // 2, 128), jnp.int32),
            pltpu.VMEM((128, H), jnp.float32),
            pltpu.VMEM((128, H), jnp.float32),
            pltpu.VMEM_SHARED((ACC_ROWS, H), jnp.float32),
            pltpu.SemaphoreType.DMA,
            pltpu.SemaphoreType.DMA,
        ],
    )(hw, src3d, dst3d, zeros)


RBLK = 1000


def _mm_body(h_ref, w_ref, o_ref):
    o_ref[...] = lax.dot_general(
        h_ref[...], w_ref[...], (((1,), (0,)), ((), ())),
        preferred_element_type=jnp.float32)


def _edge_mm(h, w_edge):
    return pl.pallas_call(
        _mm_body,
        grid=(N // RBLK,),
        in_specs=[pl.BlockSpec((RBLK, H), lambda i: (i, 0)),
                  pl.BlockSpec((H, H), lambda i: (0, 0))],
        out_specs=pl.BlockSpec((RBLK, H), lambda i: (i, 0)),
        out_shape=jax.ShapeDtypeStruct((N, H), jnp.float32),
    )(h, w_edge)


def _dotf(a, b):
    return lax.dot_general(a, b, (((1,), (0,)), ((), ())),
                           preferred_element_type=jnp.float32)


def _gru_body(a0_ref, a1_ref, h_ref, wih_ref, whh_ref, bih_ref, bhh_ref,
              g1_ref, be1_ref, w1_ref, b1_ref, g2_ref, be2_ref, w2_ref, b2_ref,
              out_ref, agg_ref, m1_acc, m2_acc):
    i = pl.program_id(0)
    a = a0_ref[...] + a1_ref[...]
    h = h_ref[...]
    gi = _dotf(a, wih_ref[...]) + bih_ref[...]
    gh = _dotf(h, whh_ref[...]) + bhh_ref[...]
    r = jax.nn.sigmoid(gi[:, :H] + gh[:, :H])
    z = jax.nn.sigmoid(gi[:, H:2 * H] + gh[:, H:2 * H])
    n = jnp.tanh(gi[:, 2 * H:] + r * gh[:, 2 * H:])
    hn = (1.0 - z) * n + z * h
    bm1 = jnp.max(h, axis=0, keepdims=True)
    bm2 = jnp.max(hn, axis=0, keepdims=True)

    @pl.when(i == 0)
    def _():
        m1_acc[...] = bm1
        m2_acc[...] = bm2

    @pl.when(i > 0)
    def _():
        m1_acc[...] = jnp.maximum(m1_acc[...], bm1)
        m2_acc[...] = jnp.maximum(m2_acc[...], bm2)

    @pl.when(i == pl.num_programs(0) - 1)
    def _():
        agg = jnp.concatenate([m1_acc[...], m2_acc[...]], axis=1)
        mu = jnp.mean(agg, axis=-1, keepdims=True)
        var = jnp.mean((agg - mu) ** 2, axis=-1, keepdims=True)
        x = (agg - mu) / jnp.sqrt(var + 1e-5) * g1_ref[...] + be1_ref[...]
        x = jnp.maximum(_dotf(x, w1_ref[...]) + b1_ref[...], 0.0)
        mu2 = jnp.mean(x, axis=-1, keepdims=True)
        var2 = jnp.mean((x - mu2) ** 2, axis=-1, keepdims=True)
        x2 = (x - mu2) / jnp.sqrt(var2 + 1e-5) * g2_ref[...] + be2_ref[...]
        out_ref[...] = jnp.sum(x2 * w2_ref[...].reshape(1, 64), axis=-1,
                               keepdims=True) + b2_ref[...]
        agg_ref[...] = agg


def _gru_head(a0, a1, h, w_ih, w_hh, b_ih, b_hh,
              ln1_g, ln1_b, w1, b1, ln2_g, ln2_b, w2, b2):
    full = lambda shape: pl.BlockSpec(shape, lambda i: tuple(0 for _ in shape))
    return pl.pallas_call(
        _gru_body,
        grid=(N // RBLK,),
        in_specs=[pl.BlockSpec((RBLK, H), lambda i: (i, 0)),
                  pl.BlockSpec((RBLK, H), lambda i: (i, 0)),
                  pl.BlockSpec((RBLK, H), lambda i: (i, 0)),
                  full((H, 3 * H)), full((H, 3 * H)),
                  full((1, 3 * H)), full((1, 3 * H)),
                  full((1, 2 * H)), full((1, 2 * H)),
                  full((2 * H, 64)), full((1, 64)),
                  full((1, 64)), full((1, 64)),
                  full((64, 1)), full((1, 1))],
        out_specs=[full((1, 1)), full((1, 2 * H))],
        out_shape=[jax.ShapeDtypeStruct((1, 1), jnp.float32),
                   jax.ShapeDtypeStruct((1, 2 * H), jnp.float32)],
        scratch_shapes=[pltpu.VMEM((1, H), jnp.float32),
                        pltpu.VMEM((1, H), jnp.float32)],
    )(a0, a1, h, w_ih, w_hh, b_ih, b_hh,
      ln1_g, ln1_b, w1, b1, ln2_g, ln2_b, w2, b2)


def kernel(text_idx, edge_index, flow, emb, W_edge, W_ih, W_hh, b_ih, b_hh,
           ln1_g, ln1_b, W1, b1, ln2_g, ln2_b, W2, b2):
    del flow
    text_idx = text_idx.astype(jnp.int32)
    npad = E_PAD - E
    spread = jnp.arange(npad, dtype=jnp.int32) % NDUMMY
    src3d = jnp.concatenate(
        [edge_index[0].astype(jnp.int32), spread]).reshape(NW, RW, 128)
    dst3d = jnp.concatenate(
        [edge_index[1].astype(jnp.int32), N + spread]).reshape(NW, RW, 128)
    zeros = jnp.zeros((RPS_LAST, H), jnp.float32)

    h = _gather_h(emb, text_idx)
    hw = _edge_mm(h, W_edge)
    a_parts = _edge_scatter(hw, src3d, dst3d, zeros)

    out, agg = _gru_head(
        a_parts[0], a_parts[1], h, W_ih, W_hh,
        b_ih.reshape(1, 3 * H), b_hh.reshape(1, 3 * H),
        ln1_g.reshape(1, 2 * H), ln1_b.reshape(1, 2 * H),
        W1, b1.reshape(1, 64),
        ln2_g.reshape(1, 64), ln2_b.reshape(1, 64),
        W2, b2.reshape(1, 1))
    return (out, agg)

# --- scband reference (transcript-rebuilt; emitter-appended) ---
"""Pipeline reference for scband-gnnencoder-56599079027392 (READ-ONLY COPY).

The authoritative reference and input builder live on the scoring server;
editing this copy changes nothing except your own understanding.
"""

import jax, jax.numpy as jnp
import numpy as np

N = 10000
E = 320000
H = 128
VOCAB = 10000

def _layer_norm(x, g, b):
    mu = x.mean(-1, keepdims=True)
    var = x.var(-1, keepdims=True)
    return (x - mu) / jnp.sqrt(var + 1e-5) * g + b

def setup_inputs(seed: int = 0):
    key = jax.random.key(seed)
    ks = jax.random.split(key, 10)
    text_idx = jax.random.randint(ks[0], (N,), 0, VOCAB)
    edge_index = jax.random.randint(ks[1], (2, E), 0, N)
    flow = jnp.zeros((E,), dtype=jnp.int64) if jax.config.jax_enable_x64 else jnp.zeros((E,), dtype=jnp.int32)
    emb = jax.random.normal(ks[2], (VOCAB, H), dtype=jnp.float32) * 0.02
    W_edge = jax.random.normal(ks[3], (H, H), dtype=jnp.float32) / np.sqrt(H)
    W_ih = jax.random.normal(ks[4], (H, 3 * H), dtype=jnp.float32) / np.sqrt(H)
    W_hh = jax.random.normal(ks[5], (H, 3 * H), dtype=jnp.float32) / np.sqrt(H)
    b_ih = jnp.zeros((3 * H,), dtype=jnp.float32)
    b_hh = jnp.zeros((3 * H,), dtype=jnp.float32)
    ln1_g = jnp.ones((2 * H,), dtype=jnp.float32)
    ln1_b = jnp.zeros((2 * H,), dtype=jnp.float32)
    W1 = jax.random.normal(ks[6], (2 * H, 64), dtype=jnp.float32) / np.sqrt(2 * H)
    b1 = jnp.zeros((64,), dtype=jnp.float32)
    ln2_g = jnp.ones((64,), dtype=jnp.float32)
    ln2_b = jnp.zeros((64,), dtype=jnp.float32)
    W2 = jax.random.normal(ks[7], (64, 1), dtype=jnp.float32) / np.sqrt(64)
    b2 = jnp.zeros((1,), dtype=jnp.float32)
    return dict(text_idx=text_idx, edge_index=edge_index, flow=flow, emb=emb,
                W_edge=W_edge, W_ih=W_ih, W_hh=W_hh, b_ih=b_ih, b_hh=b_hh,
                ln1_g=ln1_g, ln1_b=ln1_b, W1=W1, b1=b1, ln2_g=ln2_g, ln2_b=ln2_b,
                W2=W2, b2=b2)

def reference(text_idx, edge_index, flow, emb, W_edge, W_ih, W_hh, b_ih, b_hh,
              ln1_g, ln1_b, W1, b1, ln2_g, ln2_b, W2, b2):
    # featurize_nodes: node embedding lookup (SparseCore gather)
    h = jnp.take(emb, text_idx, axis=0)  # [N, H]
    intermediate = [jnp.max(h, axis=0, keepdims=True)]  # dgl.max_nodes on single graph
    # GatedGraphConv, n_steps=1, n_etypes=1 (flow is all-zero etype ids)
    src = edge_index[0]
    dst = edge_index[1]
    msg = jnp.take(h, src, axis=0) @ W_edge           # per-edge message (gather + matmul)
    a = jnp.zeros_like(h).at[dst].add(msg)            # scatter-add aggregation
    # torch.nn.GRUCell (gate order r, z, n)
    gi = a @ W_ih + b_ih
    gh = h @ W_hh + b_hh
    ir, iz, inn = jnp.split(gi, 3, axis=-1)
    hr, hz, hn = jnp.split(gh, 3, axis=-1)
    r = jax.nn.sigmoid(ir + hr)
    z = jax.nn.sigmoid(iz + hz)
    n = jnp.tanh(inn + r * hn)
    h = (1.0 - z) * n + z * h
    intermediate.append(jnp.max(h, axis=0, keepdims=True))
    # concat_intermediate graph readout
    agg = jnp.concatenate(intermediate, axis=1)  # [1, 2H]
    # reward_predictor_block_one: LayerNorm -> Dropout(eval=id) -> Linear -> ReLU
    x = _layer_norm(agg, ln1_g, ln1_b)
    x = jax.nn.relu(x @ W1 + b1)
    # reward_predictor_block_two: LayerNorm -> Dropout(eval=id) -> Linear
    x = _layer_norm(x, ln2_g, ln2_b)
    out = x @ W2 + b2  # [1, reward_dim]
    return (out, agg)

if __name__ == "__main__":
    import jax
    _d = setup_inputs()
    print(jax.jit(kernel)(*tuple(_d.values())))

</pallas_src>

<mosaic_0001>
#map = affine_map<(d0, d1) -> (0, 0)>
#map1 = affine_map<(d0, d1) -> (0, 0, 0)>
module attributes {stable_mosaic.version = 14 : i64} {
  func.func @_scatter_body(%arg0: i32, %arg1: i32, %arg2: memref<10000x128xf32, #tpu.memory_space<hbm>>, %arg3: memref<32x80x128xi32, #tpu.memory_space<hbm>>, %arg4: memref<32x80x128xi32, #tpu.memory_space<hbm>>, %arg5: memref<640x128xf32, #tpu.memory_space<hbm>>, %arg6: memref<2x10000x128xf32, #tpu.memory_space<hbm>>, %arg7: memref<40x128xi32, #tpu.memory_space<vmem>>, %arg8: memref<40x128xi32, #tpu.memory_space<vmem>>, %arg9: memref<128x128xf32, #tpu.memory_space<vmem>>, %arg10: memref<128x128xf32, #tpu.memory_space<vmem>>, %arg11: memref<10064x128xf32, #tpu.memory_space<vmem_shared>>, %arg12: memref<!tpu.dma_semaphore, #tpu.memory_space<semaphore_mem>>, %arg13: memref<!tpu.dma_semaphore, #tpu.memory_space<semaphore_mem>>) attributes {dimension_semantics = [#tpu.dimension_semantics<core_parallel>, #tpu.dimension_semantics<subcore_parallel>], iteration_bounds = array<i64: 2, 16>, scalar_prefetch = 0 : i64, scratch_operands = 7 : i64, tpu.core_type = #tpu.core_type<sc_vector_subcore>, window_params = [{transform_indices = #map}, {transform_indices = #map1}, {transform_indices = #map1}, {transform_indices = #map}, {transform_indices = #map1}]} {
    %mul3A = arith.constant 2 : i32
    %mul3A_0 = arith.muli %arg1, %mul3A : i32
    %add3A = arith.addi %mul3A_0, %arg0 : i32
    %mul3A_1 = arith.constant 624 : i32
    %mul3A_2 = arith.muli %arg1, %mul3A_1 : i32
    %multiple_of3A = tpu.assume_multiple %mul3A_2, 8 : i32
    %lt3A = arith.constant 15 : i32
    %lt3A_3 = arith.cmpi slt, %arg1, %lt3A : i32
    %convert_element_type3A = arith.extui %lt3A_3 : i1 to i32
    %cond3A = arith.constant 0 : i32
    %cond3A_4 = arith.cmpi ne, %convert_element_type3A, %cond3A : i32
    scf.if %cond3A_4 {
      "tpu.region"() ({
        %run_scoped3A = tpu.sem_alloc : memref<!tpu.dma_semaphore, #tpu.memory_space<semaphore_mem>>
        %dma_start3A_44 = arith.constant 0 : i32
        %dma_start3A_45 = tpu.memref_slice %arg11[%multiple_of3A, %dma_start3A_44] : memref<10064x128xf32, #tpu.memory_space<vmem_shared>> -> memref<624x128xf32, #tpu.memory_space<vmem_shared>>
        %dma_start3A_46 = arith.constant 0 : i32
        %dma_start3A_47 = arith.constant 0 : i32
        %dma_start3A_48 = tpu.memref_slice %arg5[%dma_start3A_46, %dma_start3A_47] : memref<640x128xf32, #tpu.memory_space<hbm>> -> memref<624x128xf32, #tpu.memory_space<hbm>>
        tpu.enqueue_dma source(%dma_start3A_48 : memref<624x128xf32, #tpu.memory_space<hbm>>) target(%dma_start3A_45 : memref<624x128xf32, #tpu.memory_space<vmem_shared>>) target_semaphore(%run_scoped3A : memref<!tpu.dma_semaphore, #tpu.memory_space<semaphore_mem>>)
        %dma_wait3A = arith.constant 0 : i32
        %dma_wait3A_49 = tpu.memref_slice %arg11[%multiple_of3A, %dma_wait3A] : memref<10064x128xf32, #tpu.memory_space<vmem_shared>> -> memref<624x128xf32, #tpu.memory_space<vmem_shared>>
        %dma_wait3A_50 = arith.constant 0 : i32
        %dma_wait3A_51 = arith.constant 0 : i32
        %dma_wait3A_52 = tpu.memref_slice %arg5[%dma_wait3A_50, %dma_wait3A_51] : memref<640x128xf32, #tpu.memory_space<hbm>> -> memref<624x128xf32, #tpu.memory_space<hbm>>
        tpu.wait_dma2 semaphore(%run_scoped3A : memref<!tpu.dma_semaphore, #tpu.memory_space<semaphore_mem>>) src(%dma_wait3A_52 : memref<624x128xf32, #tpu.memory_space<hbm>>) dst(%dma_wait3A_49 : memref<624x128xf32, #tpu.memory_space<vmem_shared>>)
        tpu.yield
      }) : () -> ()
    } else {
    }
    %eq3A = arith.constant 15 : i32
    %eq3A_5 = arith.cmpi eq, %arg1, %eq3A : i32
    %convert_element_type3A_6 = arith.extui %eq3A_5 : i1 to i32
    %cond3A_7 = arith.constant 0 : i32
    %cond3A_8 = arith.cmpi ne, %convert_element_type3A_6, %cond3A_7 : i32
    scf.if %cond3A_8 {
      "tpu.region"() ({
        %run_scoped3A = tpu.sem_alloc : memref<!tpu.dma_semaphore, #tpu.memory_space<semaphore_mem>>
        %dma_start3A_44 = arith.constant 0 : i32
        %dma_start3A_45 = tpu.memref_slice %arg11[%multiple_of3A, %dma_start3A_44] : memref<10064x128xf32, #tpu.memory_space<vmem_shared>> -> memref<640x128xf32, #tpu.memory_space<vmem_shared>>
        tpu.enqueue_dma source(%arg5 : memref<640x128xf32, #tpu.memory_space<hbm>>) target(%dma_start3A_45 : memref<640x128xf32, #tpu.memory_space<vmem_shared>>) target_semaphore(%run_scoped3A : memref<!tpu.dma_semaphore, #tpu.memory_space<semaphore_mem>>)
        %dma_wait3A = arith.constant 0 : i32
        %dma_wait3A_46 = tpu.memref_slice %arg11[%multiple_of3A, %dma_wait3A] : memref<10064x128xf32, #tpu.memory_space<vmem_shared>> -> memref<640x128xf32, #tpu.memory_space<vmem_shared>>
        tpu.wait_dma2 semaphore(%run_scoped3A : memref<!tpu.dma_semaphore, #tpu.memory_space<semaphore_mem>>) src(%arg5 : memref<640x128xf32, #tpu.memory_space<hbm>>) dst(%dma_wait3A_46 : memref<640x128xf32, #tpu.memory_space<vmem_shared>>)
        tpu.yield
      }) : () -> ()
    } else {
    }
    %barrier3A = arith.constant 0 : index
    tpu.barrier barrier_id(%barrier3A)
    "tpu.region"() ({
      %run_scoped3A = tpu.sem_alloc : memref<!tpu.dma_semaphore, #tpu.memory_space<semaphore_mem>>
      %dma_start3A_44 = arith.constant 0 : i32
      %dma_start3A_45 = arith.constant 0 : i32
      %dma_start3A_46 = tpu.memref_slice %arg3[%add3A, %dma_start3A_44, %dma_start3A_45] : memref<32x80x128xi32, #tpu.memory_space<hbm>> -> memref<1x40x128xi32, #tpu.memory_space<hbm>>
      %dma_start3A_47 = tpu.memref_squeeze %dma_start3A_46 : memref<1x40x128xi32, #tpu.memory_space<hbm>> -> memref<40x128xi32, #tpu.memory_space<hbm>>
      %dma_start3A_48 = arith.constant 0 : i32
      %dma_start3A_49 = arith.constant 0 : i32
      %dma_start3A_50 = tpu.memref_slice %arg3[%add3A, %dma_start3A_48, %dma_start3A_49] : memref<32x80x128xi32, #tpu.memory_space<hbm>> -> memref<1x40x128xi32, #tpu.memory_space<hbm>>
      %dma_start3A_51 = tpu.memref_squeeze %dma_start3A_50 : memref<1x40x128xi32, #tpu.memory_space<hbm>> -> memref<40x128xi32, #tpu.memory_space<hbm>>
      tpu.enqueue_dma source(%dma_start3A_51 : memref<40x128xi32, #tpu.memory_space<hbm>>) target(%arg7 : memref<40x128xi32, #tpu.memory_space<vmem>>) target_semaphore(%run_scoped3A : memref<!tpu.dma_semaphore, #tpu.memory_space<semaphore_mem>>)
      %dma_wait3A = arith.constant 0 : i32
      %dma_wait3A_52 = arith.constant 0 : i32
      %dma_wait3A_53 = tpu.memref_slice %arg3[%add3A, %dma_wait3A, %dma_wait3A_52] : memref<32x80x128xi32, #tpu.memory_space<hbm>> -> memref<1x40x128xi32, #tpu.memory_space<hbm>>
      %dma_wait3A_54 = tpu.memref_squeeze %dma_wait3A_53 : memref<1x40x128xi32, #tpu.memory_space<hbm>> -> memref<40x128xi32, #tpu.memory_space<hbm>>
      %dma_wait3A_55 = arith.constant 0 : i32
      %dma_wait3A_56 = arith.constant 0 : i32
      %dma_wait3A_57 = tpu.memref_slice %arg3[%add3A, %dma_wait3A_55, %dma_wait3A_56] : memref<32x80x128xi32, #tpu.memory_space<hbm>> -> memref<1x40x128xi32, #tpu.memory_space<hbm>>
      %dma_wait3A_58 = tpu.memref_squeeze %dma_wait3A_57 : memref<1x40x128xi32, #tpu.memory_space<hbm>> -> memref<40x128xi32, #tpu.memory_space<hbm>>
      tpu.wait_dma2 semaphore(%run_scoped3A : memref<!tpu.dma_semaphore, #tpu.memory_space<semaphore_mem>>) src(%dma_wait3A_58 : memref<40x128xi32, #tpu.memory_space<hbm>>) dst(%arg7 : memref<40x128xi32, #tpu.memory_space<vmem>>)
      tpu.yield
    }) : () -> ()
    "tpu.region"() ({
      %run_scoped3A = tpu.sem_alloc : memref<!tpu.dma_semaphore, #tpu.memory_space<semaphore_mem>>
      %dma_start3A_44 = arith.constant 0 : i32
      %dma_start3A_45 = arith.constant 0 : i32
      %dma_start3A_46 = tpu.memref_slice %arg4[%add3A, %dma_start3A_44, %dma_start3A_45] : memref<32x80x128xi32, #tpu.memory_space<hbm>> -> memref<1x40x128xi32, #tpu.memory_space<hbm>>
      %dma_start3A_47 = tpu.memref_squeeze %dma_start3A_46 : memref<1x40x128xi32, #tpu.memory_space<hbm>> -> memref<40x128xi32, #tpu.memory_space<hbm>>
      %dma_start3A_48 = arith.constant 0 : i32
      %dma_start3A_49 = arith.constant 0 : i32
      %dma_start3A_50 = tpu.memref_slice %arg4[%add3A, %dma_start3A_48, %dma_start3A_49] : memref<32x80x128xi32, #tpu.memory_space<hbm>> -> memref<1x40x128xi32, #tpu.memory_space<hbm>>
      %dma_start3A_51 = tpu.memref_squeeze %dma_start3A_50 : memref<1x40x128xi32, #tpu.memory_space<hbm>> -> memref<40x128xi32, #tpu.memory_space<hbm>>
      tpu.enqueue_dma source(%dma_start3A_51 : memref<40x128xi32, #tpu.memory_space<hbm>>) target(%arg8 : memref<40x128xi32, #tpu.memory_space<vmem>>) target_semaphore(%run_scoped3A : memref<!tpu.dma_semaphore, #tpu.memory_space<semaphore_mem>>)
      %dma_wait3A = arith.constant 0 : i32
      %dma_wait3A_52 = arith.constant 0 : i32
      %dma_wait3A_53 = tpu.memref_slice %arg4[%add3A, %dma_wait3A, %dma_wait3A_52] : memref<32x80x128xi32, #tpu.memory_space<hbm>> -> memref<1x40x128xi32, #tpu.memory_space<hbm>>
      %dma_wait3A_54 = tpu.memref_squeeze %dma_wait3A_53 : memref<1x40x128xi32, #tpu.memory_space<hbm>> -> memref<40x128xi32, #tpu.memory_space<hbm>>
      %dma_wait3A_55 = arith.constant 0 : i32
      %dma_wait3A_56 = arith.constant 0 : i32
      %dma_wait3A_57 = tpu.memref_slice %arg4[%add3A, %dma_wait3A_55, %dma_wait3A_56] : memref<32x80x128xi32, #tpu.memory_space<hbm>> -> memref<1x40x128xi32, #tpu.memory_space<hbm>>
      %dma_wait3A_58 = tpu.memref_squeeze %dma_wait3A_57 : memref<1x40x128xi32, #tpu.memory_space<hbm>> -> memref<40x128xi32, #tpu.memory_space<hbm>>
      tpu.wait_dma2 semaphore(%run_scoped3A : memref<!tpu.dma_semaphore, #tpu.memory_space<semaphore_mem>>) src(%dma_wait3A_58 : memref<40x128xi32, #tpu.memory_space<hbm>>) dst(%arg8 : memref<40x128xi32, #tpu.memory_space<vmem>>)
      tpu.yield
    }) : () -> ()
    %dma_start3A = arith.constant 0 : i32
    %dma_start3A_9 = arith.constant 0 : i32
    %dma_start3A_10 = tpu.memref_slice %arg7[%dma_start3A, %dma_start3A_9] : memref<40x128xi32, #tpu.memory_space<vmem>> -> memref<1x128xi32, #tpu.memory_space<vmem>>
    %dma_start3A_11 = tpu.memref_squeeze %dma_start3A_10 : memref<1x128xi32, #tpu.memory_space<vmem>> -> memref<128xi32, #tpu.memory_space<vmem>>
    %dma_start3A_12 = arith.constant 0 : i32
    %dma_start3A_13 = arith.constant 0 : i32
    %dma_start3A_14 = tpu.memref_slice %arg2[%dma_start3A_12, %dma_start3A_13] : memref<10000x128xf32, #tpu.memory_space<hbm>> -> memref<10000x128xf32, #tpu.memory_space<hbm>>
    tpu.enqueue_indirect_dma source(%dma_start3A_14 : memref<10000x128xf32, #tpu.memory_space<hbm>>) target(%arg9 : memref<128x128xf32, #tpu.memory_space<vmem>>) offsets(%dma_start3A_11 : memref<128xi32, #tpu.memory_space<vmem>>) semaphore(%arg12 : memref<!tpu.dma_semaphore, #tpu.memory_space<semaphore_mem>>)
    %scan3A = arith.constant 0 : i32
    %scan3A_15 = arith.constant 0 : i32
    %scan3A_16 = arith.constant 20 : i32
    %scan3A_17 = arith.addi %scan3A_15, %scan3A_16 : i32
    %scan3A_18 = arith.constant 1 : i32
    scf.for %scan3A_44 = %scan3A_15 to %scan3A_17 step %scan3A_18  : i32 {
      %mul3A_45 = arith.constant 2 : i32
      %mul3A_46 = arith.muli %mul3A_45, %scan3A_44 : i32
      %add3A_47 = arith.constant 1 : i32
      %add3A_48 = arith.addi %mul3A_46, %add3A_47 : i32
      %dma_start3A_49 = arith.constant 0 : i32
      %dma_start3A_50 = tpu.memref_slice %arg7[%add3A_48, %dma_start3A_49] : memref<40x128xi32, #tpu.memory_space<vmem>> -> memref<1x128xi32, #tpu.memory_space<vmem>>
      %dma_start3A_51 = tpu.memref_squeeze %dma_start3A_50 : memref<1x128xi32, #tpu.memory_space<vmem>> -> memref<128xi32, #tpu.memory_space<vmem>>
      %dma_start3A_52 = arith.constant 0 : i32
      %dma_start3A_53 = arith.constant 0 : i32
      %dma_start3A_54 = tpu.memref_slice %arg2[%dma_start3A_52, %dma_start3A_53] : memref<10000x128xf32, #tpu.memory_space<hbm>> -> memref<10000x128xf32, #tpu.memory_space<hbm>>
      tpu.enqueue_indirect_dma source(%dma_start3A_54 : memref<10000x128xf32, #tpu.memory_space<hbm>>) target(%arg10 : memref<128x128xf32, #tpu.memory_space<vmem>>) offsets(%dma_start3A_51 : memref<128xi32, #tpu.memory_space<vmem>>) semaphore(%arg13 : memref<!tpu.dma_semaphore, #tpu.memory_space<semaphore_mem>>)
      %dma_wait3A = arith.constant 0 : i32
      %dma_wait3A_55 = tpu.memref_slice %arg7[%mul3A_46, %dma_wait3A] : memref<40x128xi32, #tpu.memory_space<vmem>> -> memref<1x128xi32, #tpu.memory_space<vmem>>
      %dma_wait3A_56 = tpu.memref_squeeze %dma_wait3A_55 : memref<1x128xi32, #tpu.memory_space<vmem>> -> memref<128xi32, #tpu.memory_space<vmem>>
      %dma_wait3A_57 = arith.constant 0 : i32
      %dma_wait3A_58 = arith.constant 0 : i32
      %dma_wait3A_59 = tpu.memref_slice %arg2[%dma_wait3A_57, %dma_wait3A_58] : memref<10000x128xf32, #tpu.memory_space<hbm>> -> memref<10000x128xf32, #tpu.memory_space<hbm>>
      tpu.wait_indirect_dma semaphore(%arg12 : memref<!tpu.dma_semaphore, #tpu.memory_space<semaphore_mem>>) src(%dma_wait3A_59 : memref<10000x128xf32, #tpu.memory_space<hbm>>) dst(%arg9 : memref<128x128xf32, #tpu.memory_space<vmem>>)
      "tpu.region"() ({
        %run_scoped3A = tpu.sem_alloc : memref<!tpu.dma_semaphore, #tpu.memory_space<semaphore_mem>>
        %dma_start3A_75 = arith.constant 0 : i32
        %dma_start3A_76 = tpu.memref_slice %arg8[%mul3A_46, %dma_start3A_75] : memref<40x128xi32, #tpu.memory_space<vmem>> -> memref<1x128xi32, #tpu.memory_space<vmem>>
        %dma_start3A_77 = tpu.memref_squeeze %dma_start3A_76 : memref<1x128xi32, #tpu.memory_space<vmem>> -> memref<128xi32, #tpu.memory_space<vmem>>
        %dma_start3A_78 = arith.constant 0 : i32
        %dma_start3A_79 = arith.constant 0 : i32
        %dma_start3A_80 = tpu.memref_slice %arg11[%dma_start3A_78, %dma_start3A_79] : memref<10064x128xf32, #tpu.memory_space<vmem_shared>> -> memref<10064x128xf32, #tpu.memory_space<vmem_shared>>
        tpu.enqueue_indirect_dma source(%arg9 : memref<128x128xf32, #tpu.memory_space<vmem>>) target(%dma_start3A_80 : memref<10064x128xf32, #tpu.memory_space<vmem_shared>>) offsets(%dma_start3A_77 : memref<128xi32, #tpu.memory_space<vmem>>) semaphore(%run_scoped3A : memref<!tpu.dma_semaphore, #tpu.memory_space<semaphore_mem>>) {add = true}
        %dma_wait3A_81 = arith.constant 0 : i32
        %dma_wait3A_82 = tpu.memref_slice %arg8[%mul3A_46, %dma_wait3A_81] : memref<40x128xi32, #tpu.memory_space<vmem>> -> memref<1x128xi32, #tpu.memory_space<vmem>>
        %dma_wait3A_83 = tpu.memref_squeeze %dma_wait3A_82 : memref<1x128xi32, #tpu.memory_space<vmem>> -> memref<128xi32, #tpu.memory_space<vmem>>
        %dma_wait3A_84 = arith.constant 0 : i32
        %dma_wait3A_85 = arith.constant 0 : i32
        %dma_wait3A_86 = tpu.memref_slice %arg11[%dma_wait3A_84, %dma_wait3A_85] : memref<10064x128xf32, #tpu.memory_space<vmem_shared>> -> memref<10064x128xf32, #tpu.memory_space<vmem_shared>>
        tpu.wait_indirect_dma semaphore(%run_scoped3A : memref<!tpu.dma_semaphore, #tpu.memory_space<semaphore_mem>>) src(%arg9 : memref<128x128xf32, #tpu.memory_space<vmem>>) dst(%dma_wait3A_86 : memref<10064x128xf32, #tpu.memory_space<vmem_shared>>)
        tpu.yield
      }) : () -> ()
      %lt3A_60 = arith.constant 19 : i32
      %lt3A_61 = arith.cmpi slt, %scan3A_44, %lt3A_60 : i32
      %convert_element_type3A_62 = arith.extui %lt3A_61 : i1 to i32
      %cond3A_63 = arith.constant 0 : i32
      %cond3A_64 = arith.cmpi ne, %convert_element_type3A_62, %cond3A_63 : i32
      scf.if %cond3A_64 {
        %add3A_75 = arith.constant 2 : i32
        %add3A_76 = arith.addi %mul3A_46, %add3A_75 : i32
        %dma_start3A_77 = arith.constant 0 : i32
        %dma_start3A_78 = tpu.memref_slice %arg7[%add3A_76, %dma_start3A_77] : memref<40x128xi32, #tpu.memory_space<vmem>> -> memref<1x128xi32, #tpu.memory_space<vmem>>
        %dma_start3A_79 = tpu.memref_squeeze %dma_start3A_78 : memref<1x128xi32, #tpu.memory_space<vmem>> -> memref<128xi32, #tpu.memory_space<vmem>>
        %dma_start3A_80 = arith.constant 0 : i32
        %dma_start3A_81 = arith.constant 0 : i32
        %dma_start3A_82 = tpu.memref_slice %arg2[%dma_start3A_80, %dma_start3A_81] : memref<10000x128xf32, #tpu.memory_space<hbm>> -> memref<10000x128xf32, #tpu.memory_space<hbm>>
        tpu.enqueue_indirect_dma source(%dma_start3A_82 : memref<10000x128xf32, #tpu.memory_space<hbm>>) target(%arg9 : memref<128x128xf32, #tpu.memory_space<vmem>>) offsets(%dma_start3A_79 : memref<128xi32, #tpu.memory_space<vmem>>) semaphore(%arg12 : memref<!tpu.dma_semaphore, #tpu.memory_space<semaphore_mem>>)
      } else {
      }
      %add3A_65 = arith.constant 1 : i32
      %add3A_66 = arith.addi %mul3A_46, %add3A_65 : i32
      %dma_wait3A_67 = arith.constant 0 : i32
      %dma_wait3A_68 = tpu.memref_slice %arg7[%add3A_66, %dma_wait3A_67] : memref<40x128xi32, #tpu.memory_space<vmem>> -> memref<1x128xi32, #tpu.memory_space<vmem>>
      %dma_wait3A_69 = tpu.memref_squeeze %dma_wait3A_68 : memref<1x128xi32, #tpu.memory_space<vmem>> -> memref<128xi32, #tpu.memory_space<vmem>>
      %dma_wait3A_70 = arith.constant 0 : i32
      %dma_wait3A_71 = arith.constant 0 : i32
      %dma_wait3A_72 = tpu.memref_slice %arg2[%dma_wait3A_70, %dma_wait3A_71] : memref<10000x128xf32, #tpu.memory_space<hbm>> -> memref<10000x128xf32, #tpu.memory_space<hbm>>
      tpu.wait_indirect_dma semaphore(%arg13 : memref<!tpu.dma_semaphore, #tpu.memory_space<semaphore_mem>>) src(%dma_wait3A_72 : memref<10000x128xf32, #tpu.memory_space<hbm>>) dst(%arg10 : memref<128x128xf32, #tpu.memory_space<vmem>>)
      %add3A_73 = arith.constant 1 : i32
      %add3A_74 = arith.addi %mul3A_46, %add3A_73 : i32
      "tpu.region"() ({
        %run_scoped3A = tpu.sem_alloc : memref<!tpu.dma_semaphore, #tpu.memory_space<semaphore_mem>>
        %dma_start3A_75 = arith.constant 0 : i32
        %dma_start3A_76 = tpu.memref_slice %arg8[%add3A_74, %dma_start3A_75] : memref<40x128xi32, #tpu.memory_space<vmem>> -> memref<1x128xi32, #tpu.memory_space<vmem>>
        %dma_start3A_77 = tpu.memref_squeeze %dma_start3A_76 : memref<1x128xi32, #tpu.memory_space<vmem>> -> memref<128xi32, #tpu.memory_space<vmem>>
        %dma_start3A_78 = arith.constant 0 : i32
        %dma_start3A_79 = arith.constant 0 : i32
        %dma_start3A_80 = tpu.memref_slice %arg11[%dma_start3A_78, %dma_start3A_79] : memref<10064x128xf32, #tpu.memory_space<vmem_shared>> -> memref<10064x128xf32, #tpu.memory_space<vmem_shared>>
        tpu.enqueue_indirect_dma source(%arg10 : memref<128x128xf32, #tpu.memory_space<vmem>>) target(%dma_start3A_80 : memref<10064x128xf32, #tpu.memory_space<vmem_shared>>) offsets(%dma_start3A_77 : memref<128xi32, #tpu.memory_space<vmem>>) semaphore(%run_scoped3A : memref<!tpu.dma_semaphore, #tpu.memory_space<semaphore_mem>>) {add = true}
        %dma_wait3A_81 = arith.constant 0 : i32
        %dma_wait3A_82 = tpu.memref_slice %arg8[%add3A_74, %dma_wait3A_81] : memref<40x128xi32, #tpu.memory_space<vmem>> -> memref<1x128xi32, #tpu.memory_space<vmem>>
        %dma_wait3A_83 = tpu.memref_squeeze %dma_wait3A_82 : memref<1x128xi32, #tpu.memory_space<vmem>> -> memref<128xi32, #tpu.memory_space<vmem>>
        %dma_wait3A_84 = arith.constant 0 : i32
        %dma_wait3A_85 = arith.constant 0 : i32
        %dma_wait3A_86 = tpu.memref_slice %arg11[%dma_wait3A_84, %dma_wait3A_85] : memref<10064x128xf32, #tpu.memory_space<vmem_shared>> -> memref<10064x128xf32, #tpu.memory_space<vmem_shared>>
        tpu.wait_indirect_dma semaphore(%run_scoped3A : memref<!tpu.dma_semaphore, #tpu.memory_space<semaphore_mem>>) src(%arg10 : memref<128x128xf32, #tpu.memory_space<vmem>>) dst(%dma_wait3A_86 : memref<10064x128xf32, #tpu.memory_space<vmem_shared>>)
        tpu.yield
      }) : () -> ()
    }
    %scan3A_19 = arith.constant 20 : i32
    "tpu.region"() ({
      %run_scoped3A = tpu.sem_alloc : memref<!tpu.dma_semaphore, #tpu.memory_space<semaphore_mem>>
      %dma_start3A_44 = arith.constant 40 : i32
      %dma_start3A_45 = arith.constant 0 : i32
      %dma_start3A_46 = tpu.memref_slice %arg3[%add3A, %dma_start3A_44, %dma_start3A_45] : memref<32x80x128xi32, #tpu.memory_space<hbm>> -> memref<1x40x128xi32, #tpu.memory_space<hbm>>
      %dma_start3A_47 = tpu.memref_squeeze %dma_start3A_46 : memref<1x40x128xi32, #tpu.memory_space<hbm>> -> memref<40x128xi32, #tpu.memory_space<hbm>>
      %dma_start3A_48 = arith.constant 40 : i32
      %dma_start3A_49 = arith.constant 0 : i32
      %dma_start3A_50 = tpu.memref_slice %arg3[%add3A, %dma_start3A_48, %dma_start3A_49] : memref<32x80x128xi32, #tpu.memory_space<hbm>> -> memref<1x40x128xi32, #tpu.memory_space<hbm>>
      %dma_start3A_51 = tpu.memref_squeeze %dma_start3A_50 : memref<1x40x128xi32, #tpu.memory_space<hbm>> -> memref<40x128xi32, #tpu.memory_space<hbm>>
      tpu.enqueue_dma source(%dma_start3A_51 : memref<40x128xi32, #tpu.memory_space<hbm>>) target(%arg7 : memref<40x128xi32, #tpu.memory_space<vmem>>) target_semaphore(%run_scoped3A : memref<!tpu.dma_semaphore, #tpu.memory_space<semaphore_mem>>)
      %dma_wait3A = arith.constant 40 : i32
      %dma_wait3A_52 = arith.constant 0 : i32
      %dma_wait3A_53 = tpu.memref_slice %arg3[%add3A, %dma_wait3A, %dma_wait3A_52] : memref<32x80x128xi32, #tpu.memory_space<hbm>> -> memref<1x40x128xi32, #tpu.memory_space<hbm>>
      %dma_wait3A_54 = tpu.memref_squeeze %dma_wait3A_53 : memref<1x40x128xi32, #tpu.memory_space<hbm>> -> memref<40x128xi32, #tpu.memory_space<hbm>>
      %dma_wait3A_55 = arith.constant 40 : i32
      %dma_wait3A_56 = arith.constant 0 : i32
      %dma_wait3A_57 = tpu.memref_slice %arg3[%add3A, %dma_wait3A_55, %dma_wait3A_56] : memref<32x80x128xi32, #tpu.memory_space<hbm>> -> memref<1x40x128xi32, #tpu.memory_space<hbm>>
      %dma_wait3A_58 = tpu.memref_squeeze %dma_wait3A_57 : memref<1x40x128xi32, #tpu.memory_space<hbm>> -> memref<40x128xi32, #tpu.memory_space<hbm>>
      tpu.wait_dma2 semaphore(%run_scoped3A : memref<!tpu.dma_semaphore, #tpu.memory_space<semaphore_mem>>) src(%dma_wait3A_58 : memref<40x128xi32, #tpu.memory_space<hbm>>) dst(%arg7 : memref<40x128xi32, #tpu.memory_space<vmem>>)
      tpu.yield
    }) : () -> ()
    "tpu.region"() ({
      %run_scoped3A = tpu.sem_alloc : memref<!tpu.dma_semaphore, #tpu.memory_space<semaphore_mem>>
      %dma_start3A_44 = arith.constant 40 : i32
      %dma_start3A_45 = arith.constant 0 : i32
      %dma_start3A_46 = tpu.memref_slice %arg4[%add3A, %dma_start3A_44, %dma_start3A_45] : memref<32x80x128xi32, #tpu.memory_space<hbm>> -> memref<1x40x128xi32, #tpu.memory_space<hbm>>
      %dma_start3A_47 = tpu.memref_squeeze %dma_start3A_46 : memref<1x40x128xi32, #tpu.memory_space<hbm>> -> memref<40x128xi32, #tpu.memory_space<hbm>>
      %dma_start3A_48 = arith.constant 40 : i32
      %dma_start3A_49 = arith.constant 0 : i32
      %dma_start3A_50 = tpu.memref_slice %arg4[%add3A, %dma_start3A_48, %dma_start3A_49] : memref<32x80x128xi32, #tpu.memory_space<hbm>> -> memref<1x40x128xi32, #tpu.memory_space<hbm>>
      %dma_start3A_51 = tpu.memref_squeeze %dma_start3A_50 : memref<1x40x128xi32, #tpu.memory_space<hbm>> -> memref<40x128xi32, #tpu.memory_space<hbm>>
      tpu.enqueue_dma source(%dma_start3A_51 : memref<40x128xi32, #tpu.memory_space<hbm>>) target(%arg8 : memref<40x128xi32, #tpu.memory_space<vmem>>) target_semaphore(%run_scoped3A : memref<!tpu.dma_semaphore, #tpu.memory_space<semaphore_mem>>)
      %dma_wait3A = arith.constant 40 : i32
      %dma_wait3A_52 = arith.constant 0 : i32
      %dma_wait3A_53 = tpu.memref_slice %arg4[%add3A, %dma_wait3A, %dma_wait3A_52] : memref<32x80x128xi32, #tpu.memory_space<hbm>> -> memref<1x40x128xi32, #tpu.memory_space<hbm>>
      %dma_wait3A_54 = tpu.memref_squeeze %dma_wait3A_53 : memref<1x40x128xi32, #tpu.memory_space<hbm>> -> memref<40x128xi32, #tpu.memory_space<hbm>>
      %dma_wait3A_55 = arith.constant 40 : i32
      %dma_wait3A_56 = arith.constant 0 : i32
      %dma_wait3A_57 = tpu.memref_slice %arg4[%add3A, %dma_wait3A_55, %dma_wait3A_56] : memref<32x80x128xi32, #tpu.memory_space<hbm>> -> memref<1x40x128xi32, #tpu.memory_space<hbm>>
      %dma_wait3A_58 = tpu.memref_squeeze %dma_wait3A_57 : memref<1x40x128xi32, #tpu.memory_space<hbm>> -> memref<40x128xi32, #tpu.memory_space<hbm>>
      tpu.wait_dma2 semaphore(%run_scoped3A : memref<!tpu.dma_semaphore, #tpu.memory_space<semaphore_mem>>) src(%dma_wait3A_58 : memref<40x128xi32, #tpu.memory_space<hbm>>) dst(%arg8 : memref<40x128xi32, #tpu.memory_space<vmem>>)
      tpu.yield
    }) : () -> ()
    %dma_start3A_20 = arith.constant 0 : i32
    %dma_start3A_21 = arith.constant 0 : i32
    %dma_start3A_22 = tpu.memref_slice %arg7[%dma_start3A_20, %dma_start3A_21] : memref<40x128xi32, #tpu.memory_space<vmem>> -> memref<1x128xi32, #tpu.memory_space<vmem>>
    %dma_start3A_23 = tpu.memref_squeeze %dma_start3A_22 : memref<1x128xi32, #tpu.memory_space<vmem>> -> memref<128xi32, #tpu.memory_space<vmem>>
    %dma_start3A_24 = arith.constant 0 : i32
    %dma_start3A_25 = arith.constant 0 : i32
    %dma_start3A_26 = tpu.memref_slice %arg2[%dma_start3A_24, %dma_start3A_25] : memref<10000x128xf32, #tpu.memory_space<hbm>> -> memref<10000x128xf32, #tpu.memory_space<hbm>>
    tpu.enqueue_indirect_dma source(%dma_start3A_26 : memref<10000x128xf32, #tpu.memory_space<hbm>>) target(%arg9 : memref<128x128xf32, #tpu.memory_space<vmem>>) offsets(%dma_start3A_23 : memref<128xi32, #tpu.memory_space<vmem>>) semaphore(%arg12 : memref<!tpu.dma_semaphore, #tpu.memory_space<semaphore_mem>>)
    %scan3A_27 = arith.constant 0 : i32
    %scan3A_28 = arith.constant 0 : i32
    %scan3A_29 = arith.constant 20 : i32
    %scan3A_30 = arith.addi %scan3A_28, %scan3A_29 : i32
    %scan3A_31 = arith.constant 1 : i32
    scf.for %scan3A_44 = %scan3A_28 to %scan3A_30 step %scan3A_31  : i32 {
      %mul3A_45 = arith.constant 2 : i32
      %mul3A_46 = arith.muli %mul3A_45, %scan3A_44 : i32
      %add3A_47 = arith.constant 1 : i32
      %add3A_48 = arith.addi %mul3A_46, %add3A_47 : i32
      %dma_start3A_49 = arith.constant 0 : i32
      %dma_start3A_50 = tpu.memref_slice %arg7[%add3A_48, %dma_start3A_49] : memref<40x128xi32, #tpu.memory_space<vmem>> -> memref<1x128xi32, #tpu.memory_space<vmem>>
      %dma_start3A_51 = tpu.memref_squeeze %dma_start3A_50 : memref<1x128xi32, #tpu.memory_space<vmem>> -> memref<128xi32, #tpu.memory_space<vmem>>
      %dma_start3A_52 = arith.constant 0 : i32
      %dma_start3A_53 = arith.constant 0 : i32
      %dma_start3A_54 = tpu.memref_slice %arg2[%dma_start3A_52, %dma_start3A_53] : memref<10000x128xf32, #tpu.memory_space<hbm>> -> memref<10000x128xf32, #tpu.memory_space<hbm>>
      tpu.enqueue_indirect_dma source(%dma_start3A_54 : memref<10000x128xf32, #tpu.memory_space<hbm>>) target(%arg10 : memref<128x128xf32, #tpu.memory_space<vmem>>) offsets(%dma_start3A_51 : memref<128xi32, #tpu.memory_space<vmem>>) semaphore(%arg13 : memref<!tpu.dma_semaphore, #tpu.memory_space<semaphore_mem>>)
      %dma_wait3A = arith.constant 0 : i32
      %dma_wait3A_55 = tpu.memref_slice %arg7[%mul3A_46, %dma_wait3A] : memref<40x128xi32, #tpu.memory_space<vmem>> -> memref<1x128xi32, #tpu.memory_space<vmem>>
      %dma_wait3A_56 = tpu.memref_squeeze %dma_wait3A_55 : memref<1x128xi32, #tpu.memory_space<vmem>> -> memref<128xi32, #tpu.memory_space<vmem>>
      %dma_wait3A_57 = arith.constant 0 : i32
      %dma_wait3A_58 = arith.constant 0 : i32
      %dma_wait3A_59 = tpu.memref_slice %arg2[%dma_wait3A_57, %dma_wait3A_58] : memref<10000x128xf32, #tpu.memory_space<hbm>> -> memref<10000x128xf32, #tpu.memory_space<hbm>>
      tpu.wait_indirect_dma semaphore(%arg12 : memref<!tpu.dma_semaphore, #tpu.memory_space<semaphore_mem>>) src(%dma_wait3A_59 : memref<10000x128xf32, #tpu.memory_space<hbm>>) dst(%arg9 : memref<128x128xf32, #tpu.memory_space<vmem>>)
      "tpu.region"() ({
        %run_scoped3A = tpu.sem_alloc : memref<!tpu.dma_semaphore, #tpu.memory_space<semaphore_mem>>
        %dma_start3A_75 = arith.constant 0 : i32
        %dma_start3A_76 = tpu.memref_slice %arg8[%mul3A_46, %dma_start3A_75] : memref<40x128xi32, #tpu.memory_space<vmem>> -> memref<1x128xi32, #tpu.memory_space<vmem>>
        %dma_start3A_77 = tpu.memref_squeeze %dma_start3A_76 : memref<1x128xi32, #tpu.memory_space<vmem>> -> memref<128xi32, #tpu.memory_space<vmem>>
        %dma_start3A_78 = arith.constant 0 : i32
        %dma_start3A_79 = arith.constant 0 : i32
        %dma_start3A_80 = tpu.memref_slice %arg11[%dma_start3A_78, %dma_start3A_79] : memref<10064x128xf32, #tpu.memory_space<vmem_shared>> -> memref<10064x128xf32, #tpu.memory_space<vmem_shared>>
        tpu.enqueue_indirect_dma source(%arg9 : memref<128x128xf32, #tpu.memory_space<vmem>>) target(%dma_start3A_80 : memref<10064x128xf32, #tpu.memory_space<vmem_shared>>) offsets(%dma_start3A_77 : memref<128xi32, #tpu.memory_space<vmem>>) semaphore(%run_scoped3A : memref<!tpu.dma_semaphore, #tpu.memory_space<semaphore_mem>>) {add = true}
        %dma_wait3A_81 = arith.constant 0 : i32
        %dma_wait3A_82 = tpu.memref_slice %arg8[%mul3A_46, %dma_wait3A_81] : memref<40x128xi32, #tpu.memory_space<vmem>> -> memref<1x128xi32, #tpu.memory_space<vmem>>
        %dma_wait3A_83 = tpu.memref_squeeze %dma_wait3A_82 : memref<1x128xi32, #tpu.memory_space<vmem>> -> memref<128xi32, #tpu.memory_space<vmem>>
        %dma_wait3A_84 = arith.constant 0 : i32
        %dma_wait3A_85 = arith.constant 0 : i32
        %dma_wait3A_86 = tpu.memref_slice %arg11[%dma_wait3A_84, %dma_wait3A_85] : memref<10064x128xf32, #tpu.memory_space<vmem_shared>> -> memref<10064x128xf32, #tpu.memory_space<vmem_shared>>
        tpu.wait_indirect_dma semaphore(%run_scoped3A : memref<!tpu.dma_semaphore, #tpu.memory_space<semaphore_mem>>) src(%arg9 : memref<128x128xf32, #tpu.memory_space<vmem>>) dst(%dma_wait3A_86 : memref<10064x128xf32, #tpu.memory_space<vmem_shared>>)
        tpu.yield
      }) : () -> ()
      %lt3A_60 = arith.constant 19 : i32
      %lt3A_61 = arith.cmpi slt, %scan3A_44, %lt3A_60 : i32
      %convert_element_type3A_62 = arith.extui %lt3A_61 : i1 to i32
      %cond3A_63 = arith.constant 0 : i32
      %cond3A_64 = arith.cmpi ne, %convert_element_type3A_62, %cond3A_63 : i32
      scf.if %cond3A_64 {
        %add3A_75 = arith.constant 2 : i32
        %add3A_76 = arith.addi %mul3A_46, %add3A_75 : i32
        %dma_start3A_77 = arith.constant 0 : i32
        %dma_start3A_78 = tpu.memref_slice %arg7[%add3A_76, %dma_start3A_77] : memref<40x128xi32, #tpu.memory_space<vmem>> -> memref<1x128xi32, #tpu.memory_space<vmem>>
        %dma_start3A_79 = tpu.memref_squeeze %dma_start3A_78 : memref<1x128xi32, #tpu.memory_space<vmem>> -> memref<128xi32, #tpu.memory_space<vmem>>
        %dma_start3A_80 = arith.constant 0 : i32
        %dma_start3A_81 = arith.constant 0 : i32
        %dma_start3A_82 = tpu.memref_slice %arg2[%dma_start3A_80, %dma_start3A_81] : memref<10000x128xf32, #tpu.memory_space<hbm>> -> memref<10000x128xf32, #tpu.memory_space<hbm>>
        tpu.enqueue_indirect_dma source(%dma_start3A_82 : memref<10000x128xf32, #tpu.memory_space<hbm>>) target(%arg9 : memref<128x128xf32, #tpu.memory_space<vmem>>) offsets(%dma_start3A_79 : memref<128xi32, #tpu.memory_space<vmem>>) semaphore(%arg12 : memref<!tpu.dma_semaphore, #tpu.memory_space<semaphore_mem>>)
      } else {
      }
      %add3A_65 = arith.constant 1 : i32
      %add3A_66 = arith.addi %mul3A_46, %add3A_65 : i32
      %dma_wait3A_67 = arith.constant 0 : i32
      %dma_wait3A_68 = tpu.memref_slice %arg7[%add3A_66, %dma_wait3A_67] : memref<40x128xi32, #tpu.memory_space<vmem>> -> memref<1x128xi32, #tpu.memory_space<vmem>>
      %dma_wait3A_69 = tpu.memref_squeeze %dma_wait3A_68 : memref<1x128xi32, #tpu.memory_space<vmem>> -> memref<128xi32, #tpu.memory_space<vmem>>
      %dma_wait3A_70 = arith.constant 0 : i32
      %dma_wait3A_71 = arith.constant 0 : i32
      %dma_wait3A_72 = tpu.memref_slice %arg2[%dma_wait3A_70, %dma_wait3A_71] : memref<10000x128xf32, #tpu.memory_space<hbm>> -> memref<10000x128xf32, #tpu.memory_space<hbm>>
      tpu.wait_indirect_dma semaphore(%arg13 : memref<!tpu.dma_semaphore, #tpu.memory_space<semaphore_mem>>) src(%dma_wait3A_72 : memref<10000x128xf32, #tpu.memory_space<hbm>>) dst(%arg10 : memref<128x128xf32, #tpu.memory_space<vmem>>)
      %add3A_73 = arith.constant 1 : i32
      %add3A_74 = arith.addi %mul3A_46, %add3A_73 : i32
      "tpu.region"() ({
        %run_scoped3A = tpu.sem_alloc : memref<!tpu.dma_semaphore, #tpu.memory_space<semaphore_mem>>
        %dma_start3A_75 = arith.constant 0 : i32
        %dma_start3A_76 = tpu.memref_slice %arg8[%add3A_74, %dma_start3A_75] : memref<40x128xi32, #tpu.memory_space<vmem>> -> memref<1x128xi32, #tpu.memory_space<vmem>>
        %dma_start3A_77 = tpu.memref_squeeze %dma_start3A_76 : memref<1x128xi32, #tpu.memory_space<vmem>> -> memref<128xi32, #tpu.memory_space<vmem>>
        %dma_start3A_78 = arith.constant 0 : i32
        %dma_start3A_79 = arith.constant 0 : i32
        %dma_start3A_80 = tpu.memref_slice %arg11[%dma_start3A_78, %dma_start3A_79] : memref<10064x128xf32, #tpu.memory_space<vmem_shared>> -> memref<10064x128xf32, #tpu.memory_space<vmem_shared>>
        tpu.enqueue_indirect_dma source(%arg10 : memref<128x128xf32, #tpu.memory_space<vmem>>) target(%dma_start3A_80 : memref<10064x128xf32, #tpu.memory_space<vmem_shared>>) offsets(%dma_start3A_77 : memref<128xi32, #tpu.memory_space<vmem>>) semaphore(%run_scoped3A : memref<!tpu.dma_semaphore, #tpu.memory_space<semaphore_mem>>) {add = true}
        %dma_wait3A_81 = arith.constant 0 : i32
        %dma_wait3A_82 = tpu.memref_slice %arg8[%add3A_74, %dma_wait3A_81] : memref<40x128xi32, #tpu.memory_space<vmem>> -> memref<1x128xi32, #tpu.memory_space<vmem>>
        %dma_wait3A_83 = tpu.memref_squeeze %dma_wait3A_82 : memref<1x128xi32, #tpu.memory_space<vmem>> -> memref<128xi32, #tpu.memory_space<vmem>>
        %dma_wait3A_84 = arith.constant 0 : i32
        %dma_wait3A_85 = arith.constant 0 : i32
        %dma_wait3A_86 = tpu.memref_slice %arg11[%dma_wait3A_84, %dma_wait3A_85] : memref<10064x128xf32, #tpu.memory_space<vmem_shared>> -> memref<10064x128xf32, #tpu.memory_space<vmem_shared>>
        tpu.wait_indirect_dma semaphore(%run_scoped3A : memref<!tpu.dma_semaphore, #tpu.memory_space<semaphore_mem>>) src(%arg10 : memref<128x128xf32, #tpu.memory_space<vmem>>) dst(%dma_wait3A_86 : memref<10064x128xf32, #tpu.memory_space<vmem_shared>>)
        tpu.yield
      }) : () -> ()
    }
    %scan3A_32 = arith.constant 20 : i32
    %barrier3A_33 = arith.constant 0 : index
    tpu.barrier barrier_id(%barrier3A_33)
    %lt3A_34 = arith.constant 15 : i32
    %lt3A_35 = arith.cmpi slt, %arg1, %lt3A_34 : i32
    %convert_element_type3A_36 = arith.extui %lt3A_35 : i1 to i32
    %cond3A_37 = arith.constant 0 : i32
    %cond3A_38 = arith.cmpi ne, %convert_element_type3A_36, %cond3A_37 : i32
    scf.if %cond3A_38 {
      "tpu.region"() ({
        %run_scoped3A = tpu.sem_alloc : memref<!tpu.dma_semaphore, #tpu.memory_space<semaphore_mem>>
        %dma_start3A_44 = arith.constant 0 : i32
        %dma_start3A_45 = tpu.memref_slice %arg6[%arg0, %multiple_of3A, %dma_start3A_44] : memref<2x10000x128xf32, #tpu.memory_space<hbm>> -> memref<1x624x128xf32, #tpu.memory_space<hbm>>
        %dma_start3A_46 = tpu.memref_squeeze %dma_start3A_45 : memref<1x624x128xf32, #tpu.memory_space<hbm>> -> memref<624x128xf32, #tpu.memory_space<hbm>>
        %dma_start3A_47 = arith.constant 0 : i32
        %dma_start3A_48 = tpu.memref_slice %arg11[%multiple_of3A, %dma_start3A_47] : memref<10064x128xf32, #tpu.memory_space<vmem_shared>> -> memref<624x128xf32, #tpu.memory_space<vmem_shared>>
        tpu.enqueue_dma source(%dma_start3A_48 : memref<624x128xf32, #tpu.memory_space<vmem_shared>>) target(%dma_start3A_46 : memref<624x128xf32, #tpu.memory_space<hbm>>) target_semaphore(%run_scoped3A : memref<!tpu.dma_semaphore, #tpu.memory_space<semaphore_mem>>)
        %dma_wait3A = arith.constant 0 : i32
        %dma_wait3A_49 = tpu.memref_slice %arg6[%arg0, %multiple_of3A, %dma_wait3A] : memref<2x10000x128xf32, #tpu.memory_space<hbm>> -> memref<1x624x128xf32, #tpu.memory_space<hbm>>
        %dma_wait3A_50 = tpu.memref_squeeze %dma_wait3A_49 : memref<1x624x128xf32, #tpu.memory_space<hbm>> -> memref<624x128xf32, #tpu.memory_space<hbm>>
        %dma_wait3A_51 = arith.constant 0 : i32
        %dma_wait3A_52 = tpu.memref_slice %arg11[%multiple_of3A, %dma_wait3A_51] : memref<10064x128xf32, #tpu.memory_space<vmem_shared>> -> memref<624x128xf32, #tpu.memory_space<vmem_shared>>
        tpu.wait_dma2 semaphore(%run_scoped3A : memref<!tpu.dma_semaphore, #tpu.memory_space<semaphore_mem>>) src(%dma_wait3A_52 : memref<624x128xf32, #tpu.memory_space<vmem_shared>>) dst(%dma_wait3A_50 : memref<624x128xf32, #tpu.memory_space<hbm>>)
        tpu.yield
      }) : () -> ()
    } else {
    }
    %eq3A_39 = arith.constant 15 : i32
    %eq3A_40 = arith.cmpi eq, %arg1, %eq3A_39 : i32
    %convert_element_type3A_41 = arith.extui %eq3A_40 : i1 to i32
    %cond3A_42 = arith.constant 0 : i32
    %cond3A_43 = arith.cmpi ne, %convert_element_type3A_41, %cond3A_42 : i32
    scf.if %cond3A_43 {
      "tpu.region"() ({
        %run_scoped3A = tpu.sem_alloc : memref<!tpu.dma_semaphore, #tpu.memory_space<semaphore_mem>>
        %dma_start3A_44 = arith.constant 0 : i32
        %dma_start3A_45 = tpu.memref_slice %arg6[%arg0, %multiple_of3A, %dma_start3A_44] : memref<2x10000x128xf32, #tpu.memory_space<hbm>> -> memref<1x640x128xf32, #tpu.memory_space<hbm>>
        %dma_start3A_46 = tpu.memref_squeeze %dma_start3A_45 : memref<1x640x128xf32, #tpu.memory_space<hbm>> -> memref<640x128xf32, #tpu.memory_space<hbm>>
        %dma_start3A_47 = arith.constant 0 : i32
        %dma_start3A_48 = tpu.memref_slice %arg11[%multiple_of3A, %dma_start3A_47] : memref<10064x128xf32, #tpu.memory_space<vmem_shared>> -> memref<640x128xf32, #tpu.memory_space<vmem_shared>>
        tpu.enqueue_dma source(%dma_start3A_48 : memref<640x128xf32, #tpu.memory_space<vmem_shared>>) target(%dma_start3A_46 : memref<640x128xf32, #tpu.memory_space<hbm>>) target_semaphore(%run_scoped3A : memref<!tpu.dma_semaphore, #tpu.memory_space<semaphore_mem>>)
        %dma_wait3A = arith.constant 0 : i32
        %dma_wait3A_49 = tpu.memref_slice %arg6[%arg0, %multiple_of3A, %dma_wait3A] : memref<2x10000x128xf32, #tpu.memory_space<hbm>> -> memref<1x640x128xf32, #tpu.memory_space<hbm>>
        %dma_wait3A_50 = tpu.memref_squeeze %dma_wait3A_49 : memref<1x640x128xf32, #tpu.memory_space<hbm>> -> memref<640x128xf32, #tpu.memory_space<hbm>>
        %dma_wait3A_51 = arith.constant 0 : i32
        %dma_wait3A_52 = tpu.memref_slice %arg11[%multiple_of3A, %dma_wait3A_51] : memref<10064x128xf32, #tpu.memory_space<vmem_shared>> -> memref<640x128xf32, #tpu.memory_space<vmem_shared>>
        tpu.wait_dma2 semaphore(%run_scoped3A : memref<!tpu.dma_semaphore, #tpu.memory_space<semaphore_mem>>) src(%dma_wait3A_52 : memref<640x128xf32, #tpu.memory_space<vmem_shared>>) dst(%dma_wait3A_50 : memref<640x128xf32, #tpu.memory_space<hbm>>)
        tpu.yield
      }) : () -> ()
    } else {
    }
    return
  }
}

#map = affine_map<(d0, d1) -> (0, 0)>
#map1 = affine_map<(d0, d1) -> (0)>
module attributes {stable_mosaic.version = 14 : i64} {
  func.func @_gather_body(%arg0: i32, %arg1: i32, %arg2: memref<10000x128xf32, #tpu.memory_space<hbm>>, %arg3: memref<10000xi32, #tpu.memory_space<hbm>>, %arg4: memref<10000x128xf32, #tpu.memory_space<hbm>>, %arg5: memref<80xi32, #tpu.memory_space<vmem>>, %arg6: memref<80x128xf32, #tpu.memory_space<vmem>>, %arg7: memref<!tpu.dma_semaphore, #tpu.memory_space<semaphore_mem>>) attributes {dimension_semantics = [#tpu.dimension_semantics<core_parallel>, #tpu.dimension_semantics<subcore_parallel>], iteration_bounds = array<i64: 2, 16>, scalar_prefetch = 0 : i64, scratch_operands = 3 : i64, tpu.core_type = #tpu.core_type<sc_vector_subcore>, window_params = [{transform_indices = #map}, {transform_indices = #map1}, {transform_indices = #map}]} {
    %mul3A = arith.constant 2 : i32
    %mul3A_0 = arith.muli %arg1, %mul3A : i32
    %add3A = arith.addi %mul3A_0, %arg0 : i32
    %add3A_1 = arith.constant 0 : i32
    %add3A_2 = arith.addi %add3A, %add3A_1 : i32
    %lt3A = arith.constant 125 : i32
    %lt3A_3 = arith.cmpi slt, %add3A_2, %lt3A : i32
    %convert_element_type3A = arith.extui %lt3A_3 : i1 to i32
    %cond3A = arith.constant 0 : i32
    %cond3A_4 = arith.cmpi ne, %convert_element_type3A, %cond3A : i32
    scf.if %cond3A_4 {
      %mul3A_26 = arith.constant 80 : i32
      %mul3A_27 = arith.muli %add3A_2, %mul3A_26 : i32
      %multiple_of3A = tpu.assume_multiple %mul3A_27, 8 : i32
      "tpu.region"() ({
        %run_scoped3A = tpu.sem_alloc : memref<!tpu.dma_semaphore, #tpu.memory_space<semaphore_mem>>
        %dma_start3A_32 = tpu.memref_slice %arg3[%multiple_of3A] : memref<10000xi32, #tpu.memory_space<hbm>> -> memref<80xi32, #tpu.memory_space<hbm>>
        %dma_start3A_33 = tpu.memref_slice %arg3[%multiple_of3A] : memref<10000xi32, #tpu.memory_space<hbm>> -> memref<80xi32, #tpu.memory_space<hbm>>
        tpu.enqueue_dma source(%dma_start3A_33 : memref<80xi32, #tpu.memory_space<hbm>>) target(%arg5 : memref<80xi32, #tpu.memory_space<vmem>>) target_semaphore(%run_scoped3A : memref<!tpu.dma_semaphore, #tpu.memory_space<semaphore_mem>>)
        %dma_wait3A_34 = tpu.memref_slice %arg3[%multiple_of3A] : memref<10000xi32, #tpu.memory_space<hbm>> -> memref<80xi32, #tpu.memory_space<hbm>>
        %dma_wait3A_35 = tpu.memref_slice %arg3[%multiple_of3A] : memref<10000xi32, #tpu.memory_space<hbm>> -> memref<80xi32, #tpu.memory_space<hbm>>
        tpu.wait_dma2 semaphore(%run_scoped3A : memref<!tpu.dma_semaphore, #tpu.memory_space<semaphore_mem>>) src(%dma_wait3A_35 : memref<80xi32, #tpu.memory_space<hbm>>) dst(%arg5 : memref<80xi32, #tpu.memory_space<vmem>>)
        tpu.yield
      }) : () -> ()
      %dma_start3A = arith.constant 0 : i32
      %dma_start3A_28 = arith.constant 0 : i32
      %dma_start3A_29 = tpu.memref_slice %arg2[%dma_start3A, %dma_start3A_28] : memref<10000x128xf32, #tpu.memory_space<hbm>> -> memref<10000x128xf32, #tpu.memory_space<hbm>>
      tpu.enqueue_indirect_dma source(%dma_start3A_29 : memref<10000x128xf32, #tpu.memory_space<hbm>>) target(%arg6 : memref<80x128xf32, #tpu.memory_space<vmem>>) offsets(%arg5 : memref<80xi32, #tpu.memory_space<vmem>>) semaphore(%arg7 : memref<!tpu.dma_semaphore, #tpu.memory_space<semaphore_mem>>)
      %dma_wait3A = arith.constant 0 : i32
      %dma_wait3A_30 = arith.constant 0 : i32
      %dma_wait3A_31 = tpu.memref_slice %arg2[%dma_wait3A, %dma_wait3A_30] : memref<10000x128xf32, #tpu.memory_space<hbm>> -> memref<10000x128xf32, #tpu.memory_space<hbm>>
      tpu.wait_indirect_dma semaphore(%arg7 : memref<!tpu.dma_semaphore, #tpu.memory_space<semaphore_mem>>) src(%dma_wait3A_31 : memref<10000x128xf32, #tpu.memory_space<hbm>>) dst(%arg6 : memref<80x128xf32, #tpu.memory_space<vmem>>)
      "tpu.region"() ({
        %run_scoped3A = tpu.sem_alloc : memref<!tpu.dma_semaphore, #tpu.memory_space<semaphore_mem>>
        %dma_start3A_32 = arith.constant 0 : i32
        %dma_start3A_33 = tpu.memref_slice %arg4[%multiple_of3A, %dma_start3A_32] : memref<10000x128xf32, #tpu.memory_space<hbm>> -> memref<80x128xf32, #tpu.memory_space<hbm>>
        %dma_start3A_34 = arith.constant 0 : i32
        %dma_start3A_35 = tpu.memref_slice %arg4[%multiple_of3A, %dma_start3A_34] : memref<10000x128xf32, #tpu.memory_space<hbm>> -> memref<80x128xf32, #tpu.memory_space<hbm>>
        tpu.enqueue_dma source(%arg6 : memref<80x128xf32, #tpu.memory_space<vmem>>) target(%dma_start3A_35 : memref<80x128xf32, #tpu.memory_space<hbm>>) target_semaphore(%run_scoped3A : memref<!tpu.dma_semaphore, #tpu.memory_space<semaphore_mem>>)
        %dma_wait3A_36 = arith.constant 0 : i32
        %dma_wait3A_37 = tpu.memref_slice %arg4[%multiple_of3A, %dma_wait3A_36] : memref<10000x128xf32, #tpu.memory_space<hbm>> -> memref<80x128xf32, #tpu.memory_space<hbm>>
        %dma_wait3A_38 = arith.constant 0 : i32
        %dma_wait3A_39 = tpu.memref_slice %arg4[%multiple_of3A, %dma_wait3A_38] : memref<10000x128xf32, #tpu.memory_space<hbm>> -> memref<80x128xf32, #tpu.memory_space<hbm>>
        tpu.wait_dma2 semaphore(%run_scoped3A : memref<!tpu.dma_semaphore, #tpu.memory_space<semaphore_mem>>) src(%arg6 : memref<80x128xf32, #tpu.memory_space<vmem>>) dst(%dma_wait3A_39 : memref<80x128xf32, #tpu.memory_space<hbm>>)
        tpu.yield
      }) : () -> ()
    } else {
    }
    %add3A_5 = arith.constant 32 : i32
    %add3A_6 = arith.addi %add3A, %add3A_5 : i32
    %lt3A_7 = arith.constant 125 : i32
    %lt3A_8 = arith.cmpi slt, %add3A_6, %lt3A_7 : i32
    %convert_element_type3A_9 = arith.extui %lt3A_8 : i1 to i32
    %cond3A_10 = arith.constant 0 : i32
    %cond3A_11 = arith.cmpi ne, %convert_element_type3A_9, %cond3A_10 : i32
    scf.if %cond3A_11 {
      %mul3A_26 = arith.constant 80 : i32
      %mul3A_27 = arith.muli %add3A_6, %mul3A_26 : i32
      %multiple_of3A = tpu.assume_multiple %mul3A_27, 8 : i32
      "tpu.region"() ({
        %run_scoped3A = tpu.sem_alloc : memref<!tpu.dma_semaphore, #tpu.memory_space<semaphore_mem>>
        %dma_start3A_32 = tpu.memref_slice %arg3[%multiple_of3A] : memref<10000xi32, #tpu.memory_space<hbm>> -> memref<80xi32, #tpu.memory_space<hbm>>
        %dma_start3A_33 = tpu.memref_slice %arg3[%multiple_of3A] : memref<10000xi32, #tpu.memory_space<hbm>> -> memref<80xi32, #tpu.memory_space<hbm>>
        tpu.enqueue_dma source(%dma_start3A_33 : memref<80xi32, #tpu.memory_space<hbm>>) target(%arg5 : memref<80xi32, #tpu.memory_space<vmem>>) target_semaphore(%run_scoped3A : memref<!tpu.dma_semaphore, #tpu.memory_space<semaphore_mem>>)
        %dma_wait3A_34 = tpu.memref_slice %arg3[%multiple_of3A] : memref<10000xi32, #tpu.memory_space<hbm>> -> memref<80xi32, #tpu.memory_space<hbm>>
        %dma_wait3A_35 = tpu.memref_slice %arg3[%multiple_of3A] : memref<10000xi32, #tpu.memory_space<hbm>> -> memref<80xi32, #tpu.memory_space<hbm>>
        tpu.wait_dma2 semaphore(%run_scoped3A : memref<!tpu.dma_semaphore, #tpu.memory_space<semaphore_mem>>) src(%dma_wait3A_35 : memref<80xi32, #tpu.memory_space<hbm>>) dst(%arg5 : memref<80xi32, #tpu.memory_space<vmem>>)
        tpu.yield
      }) : () -> ()
      %dma_start3A = arith.constant 0 : i32
      %dma_start3A_28 = arith.constant 0 : i32
      %dma_start3A_29 = tpu.memref_slice %arg2[%dma_start3A, %dma_start3A_28] : memref<10000x128xf32, #tpu.memory_space<hbm>> -> memref<10000x128xf32, #tpu.memory_space<hbm>>
      tpu.enqueue_indirect_dma source(%dma_start3A_29 : memref<10000x128xf32, #tpu.memory_space<hbm>>) target(%arg6 : memref<80x128xf32, #tpu.memory_space<vmem>>) offsets(%arg5 : memref<80xi32, #tpu.memory_space<vmem>>) semaphore(%arg7 : memref<!tpu.dma_semaphore, #tpu.memory_space<semaphore_mem>>)
      %dma_wait3A = arith.constant 0 : i32
      %dma_wait3A_30 = arith.constant 0 : i32
      %dma_wait3A_31 = tpu.memref_slice %arg2[%dma_wait3A, %dma_wait3A_30] : memref<10000x128xf32, #tpu.memory_space<hbm>> -> memref<10000x128xf32, #tpu.memory_space<hbm>>
      tpu.wait_indirect_dma semaphore(%arg7 : memref<!tpu.dma_semaphore, #tpu.memory_space<semaphore_mem>>) src(%dma_wait3A_31 : memref<10000x128xf32, #tpu.memory_space<hbm>>) dst(%arg6 : memref<80x128xf32, #tpu.memory_space<vmem>>)
      "tpu.region"() ({
        %run_scoped3A = tpu.sem_alloc : memref<!tpu.dma_semaphore, #tpu.memory_space<semaphore_mem>>
        %dma_start3A_32 = arith.constant 0 : i32
        %dma_start3A_33 = tpu.memref_slice %arg4[%multiple_of3A, %dma_start3A_32] : memref<10000x128xf32, #tpu.memory_space<hbm>> -> memref<80x128xf32, #tpu.memory_space<hbm>>
        %dma_start3A_34 = arith.constant 0 : i32
        %dma_start3A_35 = tpu.memref_slice %arg4[%multiple_of3A, %dma_start3A_34] : memref<10000x128xf32, #tpu.memory_space<hbm>> -> memref<80x128xf32, #tpu.memory_space<hbm>>
        tpu.enqueue_dma source(%arg6 : memref<80x128xf32, #tpu.memory_space<vmem>>) target(%dma_start3A_35 : memref<80x128xf32, #tpu.memory_space<hbm>>) target_semaphore(%run_scoped3A : memref<!tpu.dma_semaphore, #tpu.memory_space<semaphore_mem>>)
        %dma_wait3A_36 = arith.constant 0 : i32
        %dma_wait3A_37 = tpu.memref_slice %arg4[%multiple_of3A, %dma_wait3A_36] : memref<10000x128xf32, #tpu.memory_space<hbm>> -> memref<80x128xf32, #tpu.memory_space<hbm>>
        %dma_wait3A_38 = arith.constant 0 : i32
        %dma_wait3A_39 = tpu.memref_slice %arg4[%multiple_of3A, %dma_wait3A_38] : memref<10000x128xf32, #tpu.memory_space<hbm>> -> memref<80x128xf32, #tpu.memory_space<hbm>>
        tpu.wait_dma2 semaphore(%run_scoped3A : memref<!tpu.dma_semaphore, #tpu.memory_space<semaphore_mem>>) src(%arg6 : memref<80x128xf32, #tpu.memory_space<vmem>>) dst(%dma_wait3A_39 : memref<80x128xf32, #tpu.memory_space<hbm>>)
        tpu.yield
      }) : () -> ()
    } else {
    }
    %add3A_12 = arith.constant 64 : i32
    %add3A_13 = arith.addi %add3A, %add3A_12 : i32
    %lt3A_14 = arith.constant 125 : i32
    %lt3A_15 = arith.cmpi slt, %add3A_13, %lt3A_14 : i32
    %convert_element_type3A_16 = arith.extui %lt3A_15 : i1 to i32
    %cond3A_17 = arith.constant 0 : i32
    %cond3A_18 = arith.cmpi ne, %convert_element_type3A_16, %cond3A_17 : i32
    scf.if %cond3A_18 {
      %mul3A_26 = arith.constant 80 : i32
      %mul3A_27 = arith.muli %add3A_13, %mul3A_26 : i32
      %multiple_of3A = tpu.assume_multiple %mul3A_27, 8 : i32
      "tpu.region"() ({
        %run_scoped3A = tpu.sem_alloc : memref<!tpu.dma_semaphore, #tpu.memory_space<semaphore_mem>>
        %dma_start3A_32 = tpu.memref_slice %arg3[%multiple_of3A] : memref<10000xi32, #tpu.memory_space<hbm>> -> memref<80xi32, #tpu.memory_space<hbm>>
        %dma_start3A_33 = tpu.memref_slice %arg3[%multiple_of3A] : memref<10000xi32, #tpu.memory_space<hbm>> -> memref<80xi32, #tpu.memory_space<hbm>>
        tpu.enqueue_dma source(%dma_start3A_33 : memref<80xi32, #tpu.memory_space<hbm>>) target(%arg5 : memref<80xi32, #tpu.memory_space<vmem>>) target_semaphore(%run_scoped3A : memref<!tpu.dma_semaphore, #tpu.memory_space<semaphore_mem>>)
        %dma_wait3A_34 = tpu.memref_slice %arg3[%multiple_of3A] : memref<10000xi32, #tpu.memory_space<hbm>> -> memref<80xi32, #tpu.memory_space<hbm>>
        %dma_wait3A_35 = tpu.memref_slice %arg3[%multiple_of3A] : memref<10000xi32, #tpu.memory_space<hbm>> -> memref<80xi32, #tpu.memory_space<hbm>>
        tpu.wait_dma2 semaphore(%run_scoped3A : memref<!tpu.dma_semaphore, #tpu.memory_space<semaphore_mem>>) src(%dma_wait3A_35 : memref<80xi32, #tpu.memory_space<hbm>>) dst(%arg5 : memref<80xi32, #tpu.memory_space<vmem>>)
        tpu.yield
      }) : () -> ()
      %dma_start3A = arith.constant 0 : i32
      %dma_start3A_28 = arith.constant 0 : i32
      %dma_start3A_29 = tpu.memref_slice %arg2[%dma_start3A, %dma_start3A_28] : memref<10000x128xf32, #tpu.memory_space<hbm>> -> memref<10000x128xf32, #tpu.memory_space<hbm>>
      tpu.enqueue_indirect_dma source(%dma_start3A_29 : memref<10000x128xf32, #tpu.memory_space<hbm>>) target(%arg6 : memref<80x128xf32, #tpu.memory_space<vmem>>) offsets(%arg5 : memref<80xi32, #tpu.memory_space<vmem>>) semaphore(%arg7 : memref<!tpu.dma_semaphore, #tpu.memory_space<semaphore_mem>>)
      %dma_wait3A = arith.constant 0 : i32
      %dma_wait3A_30 = arith.constant 0 : i32
      %dma_wait3A_31 = tpu.memref_slice %arg2[%dma_wait3A, %dma_wait3A_30] : memref<10000x128xf32, #tpu.memory_space<hbm>> -> memref<10000x128xf32, #tpu.memory_space<hbm>>
      tpu.wait_indirect_dma semaphore(%arg7 : memref<!tpu.dma_semaphore, #tpu.memory_space<semaphore_mem>>) src(%dma_wait3A_31 : memref<10000x128xf32, #tpu.memory_space<hbm>>) dst(%arg6 : memref<80x128xf32, #tpu.memory_space<vmem>>)
      "tpu.region"() ({
        %run_scoped3A = tpu.sem_alloc : memref<!tpu.dma_semaphore, #tpu.memory_space<semaphore_mem>>
        %dma_start3A_32 = arith.constant 0 : i32
        %dma_start3A_33 = tpu.memref_slice %arg4[%multiple_of3A, %dma_start3A_32] : memref<10000x128xf32, #tpu.memory_space<hbm>> -> memref<80x128xf32, #tpu.memory_space<hbm>>
        %dma_start3A_34 = arith.constant 0 : i32
        %dma_start3A_35 = tpu.memref_slice %arg4[%multiple_of3A, %dma_start3A_34] : memref<10000x128xf32, #tpu.memory_space<hbm>> -> memref<80x128xf32, #tpu.memory_space<hbm>>
        tpu.enqueue_dma source(%arg6 : memref<80x128xf32, #tpu.memory_space<vmem>>) target(%dma_start3A_35 : memref<80x128xf32, #tpu.memory_space<hbm>>) target_semaphore(%run_scoped3A : memref<!tpu.dma_semaphore, #tpu.memory_space<semaphore_mem>>)
        %dma_wait3A_36 = arith.constant 0 : i32
        %dma_wait3A_37 = tpu.memref_slice %arg4[%multiple_of3A, %dma_wait3A_36] : memref<10000x128xf32, #tpu.memory_space<hbm>> -> memref<80x128xf32, #tpu.memory_space<hbm>>
        %dma_wait3A_38 = arith.constant 0 : i32
        %dma_wait3A_39 = tpu.memref_slice %arg4[%multiple_of3A, %dma_wait3A_38] : memref<10000x128xf32, #tpu.memory_space<hbm>> -> memref<80x128xf32, #tpu.memory_space<hbm>>
        tpu.wait_dma2 semaphore(%run_scoped3A : memref<!tpu.dma_semaphore, #tpu.memory_space<semaphore_mem>>) src(%arg6 : memref<80x128xf32, #tpu.memory_space<vmem>>) dst(%dma_wait3A_39 : memref<80x128xf32, #tpu.memory_space<hbm>>)
        tpu.yield
      }) : () -> ()
    } else {
    }
    %add3A_19 = arith.constant 96 : i32
    %add3A_20 = arith.addi %add3A, %add3A_19 : i32
    %lt3A_21 = arith.constant 125 : i32
    %lt3A_22 = arith.cmpi slt, %add3A_20, %lt3A_21 : i32
    %convert_element_type3A_23 = arith.extui %lt3A_22 : i1 to i32
    %cond3A_24 = arith.constant 0 : i32
    %cond3A_25 = arith.cmpi ne, %convert_element_type3A_23, %cond3A_24 : i32
    scf.if %cond3A_25 {
      %mul3A_26 = arith.constant 80 : i32
      %mul3A_27 = arith.muli %add3A_20, %mul3A_26 : i32
      %multiple_of3A = tpu.assume_multiple %mul3A_27, 8 : i32
      "tpu.region"() ({
        %run_scoped3A = tpu.sem_alloc : memref<!tpu.dma_semaphore, #tpu.memory_space<semaphore_mem>>
        %dma_start3A_32 = tpu.memref_slice %arg3[%multiple_of3A] : memref<10000xi32, #tpu.memory_space<hbm>> -> memref<80xi32, #tpu.memory_space<hbm>>
        %dma_start3A_33 = tpu.memref_slice %arg3[%multiple_of3A] : memref<10000xi32, #tpu.memory_space<hbm>> -> memref<80xi32, #tpu.memory_space<hbm>>
        tpu.enqueue_dma source(%dma_start3A_33 : memref<80xi32, #tpu.memory_space<hbm>>) target(%arg5 : memref<80xi32, #tpu.memory_space<vmem>>) target_semaphore(%run_scoped3A : memref<!tpu.dma_semaphore, #tpu.memory_space<semaphore_mem>>)
        %dma_wait3A_34 = tpu.memref_slice %arg3[%multiple_of3A] : memref<10000xi32, #tpu.memory_space<hbm>> -> memref<80xi32, #tpu.memory_space<hbm>>
        %dma_wait3A_35 = tpu.memref_slice %arg3[%multiple_of3A] : memref<10000xi32, #tpu.memory_space<hbm>> -> memref<80xi32, #tpu.memory_space<hbm>>
        tpu.wait_dma2 semaphore(%run_scoped3A : memref<!tpu.dma_semaphore, #tpu.memory_space<semaphore_mem>>) src(%dma_wait3A_35 : memref<80xi32, #tpu.memory_space<hbm>>) dst(%arg5 : memref<80xi32, #tpu.memory_space<vmem>>)
        tpu.yield
      }) : () -> ()
      %dma_start3A = arith.constant 0 : i32
      %dma_start3A_28 = arith.constant 0 : i32
      %dma_start3A_29 = tpu.memref_slice %arg2[%dma_start3A, %dma_start3A_28] : memref<10000x128xf32, #tpu.memory_space<hbm>> -> memref<10000x128xf32, #tpu.memory_space<hbm>>
      tpu.enqueue_indirect_dma source(%dma_start3A_29 : memref<10000x128xf32, #tpu.memory_space<hbm>>) target(%arg6 : memref<80x128xf32, #tpu.memory_space<vmem>>) offsets(%arg5 : memref<80xi32, #tpu.memory_space<vmem>>) semaphore(%arg7 : memref<!tpu.dma_semaphore, #tpu.memory_space<semaphore_mem>>)
      %dma_wait3A = arith.constant 0 : i32
      %dma_wait3A_30 = arith.constant 0 : i32
      %dma_wait3A_31 = tpu.memref_slice %arg2[%dma_wait3A, %dma_wait3A_30] : memref<10000x128xf32, #tpu.memory_space<hbm>> -> memref<10000x128xf32, #tpu.memory_space<hbm>>
      tpu.wait_indirect_dma semaphore(%arg7 : memref<!tpu.dma_semaphore, #tpu.memory_space<semaphore_mem>>) src(%dma_wait3A_31 : memref<10000x128xf32, #tpu.memory_space<hbm>>) dst(%arg6 : memref<80x128xf32, #tpu.memory_space<vmem>>)
      "tpu.region"() ({
        %run_scoped3A = tpu.sem_alloc : memref<!tpu.dma_semaphore, #tpu.memory_space<semaphore_mem>>
        %dma_start3A_32 = arith.constant 0 : i32
        %dma_start3A_33 = tpu.memref_slice %arg4[%multiple_of3A, %dma_start3A_32] : memref<10000x128xf32, #tpu.memory_space<hbm>> -> memref<80x128xf32, #tpu.memory_space<hbm>>
        %dma_start3A_34 = arith.constant 0 : i32
        %dma_start3A_35 = tpu.memref_slice %arg4[%multiple_of3A, %dma_start3A_34] : memref<10000x128xf32, #tpu.memory_space<hbm>> -> memref<80x128xf32, #tpu.memory_space<hbm>>
        tpu.enqueue_dma source(%arg6 : memref<80x128xf32, #tpu.memory_space<vmem>>) target(%dma_start3A_35 : memref<80x128xf32, #tpu.memory_space<hbm>>) target_semaphore(%run_scoped3A : memref<!tpu.dma_semaphore, #tpu.memory_space<semaphore_mem>>)
        %dma_wait3A_36 = arith.constant 0 : i32
        %dma_wait3A_37 = tpu.memref_slice %arg4[%multiple_of3A, %dma_wait3A_36] : memref<10000x128xf32, #tpu.memory_space<hbm>> -> memref<80x128xf32, #tpu.memory_space<hbm>>
        %dma_wait3A_38 = arith.constant 0 : i32
        %dma_wait3A_39 = tpu.memref_slice %arg4[%multiple_of3A, %dma_wait3A_38] : memref<10000x128xf32, #tpu.memory_space<hbm>> -> memref<80x128xf32, #tpu.memory_space<hbm>>
        tpu.wait_dma2 semaphore(%run_scoped3A : memref<!tpu.dma_semaphore, #tpu.memory_space<semaphore_mem>>) src(%arg6 : memref<80x128xf32, #tpu.memory_space<vmem>>) dst(%dma_wait3A_39 : memref<80x128xf32, #tpu.memory_space<hbm>>)
        tpu.yield
      }) : () -> ()
    } else {
    }
    return
  }
}

module attributes {stable_mosaic.version = 14 : i64} {
  func.func @_mm_body(%arg0: i32, %arg1: memref<1000x128xf32, #tpu.memory_space<vmem>>, %arg2: memref<128x128xf32, #tpu.memory_space<vmem>>, %arg3: memref<1000x128xf32, #tpu.memory_space<vmem>>) attributes {dimension_semantics = [#tpu.dimension_semantics<arbitrary>], iteration_bounds = array<i64: 10>, scalar_prefetch = 0 : i64, scratch_operands = 0 : i64, tpu.core_type = #tpu.core_type<tc>, window_params = [{transform_indices = @transform_0, window_bounds = array<i64: 1000, 128>}, {pipeline_mode = #tpu.pipeline_mode<synchronous>, transform_indices = @transform_1, window_bounds = array<i64: 128, 128>}, {transform_indices = @transform_2, window_bounds = array<i64: 1000, 128>}]} {
    %get3A = arith.constant 0 : index
    %get3A_0 = arith.constant 0 : index
    %get3A_1 = vector.load %arg1[%get3A, %get3A_0] : memref<1000x128xf32, #tpu.memory_space<vmem>>, vector<1000x128xf32>
    %get3A_2 = arith.constant 0 : index
    %get3A_3 = arith.constant 0 : index
    %get3A_4 = vector.load %arg2[%get3A_2, %get3A_3] : memref<128x128xf32, #tpu.memory_space<vmem>>, vector<128x128xf32>
    %dot_general3A = arith.constant dense<0.000000e+00> : vector<1000x128xf32>
    %dot_general3A_5 = tpu.matmul %get3A_1, %get3A_4, %dot_general3A {dimension_numbers = #tpu.dot_dimension_numbers<[1], [0], [0], [1], [0, 0, 1, 1], [], []>, transpose_lhs_hint = false} : vector<1000x128xf32>, vector<128x128xf32>, vector<1000x128xf32> -> vector<1000x128xf32>
    %swap3A = arith.constant 0 : index
    %swap3A_6 = arith.constant 0 : index
    %swap3A_7 = vector.load %arg3[%swap3A, %swap3A_6] : memref<1000x128xf32, #tpu.memory_space<vmem>>, vector<1000x128xf32>
    tpu.vector_store %arg3[%swap3A, %swap3A_6], %dot_general3A_5 {strides = array<i32>} : memref<1000x128xf32, #tpu.memory_space<vmem>>, vector<1000x128xf32>,
    return
  }
  func.func @transform_0(%arg0: i32) -> (i32, i32) {
    %c0_i32 = arith.constant 0 : i32
    %c0_i32_0 = arith.constant 0 : i32
    return %arg0, %c0_i32 : i32, i32
  }
  func.func @transform_1(%arg0: i32) -> (i32, i32) {
    %c0_i32 = arith.constant 0 : i32
    %c0_i32_0 = arith.constant 0 : i32
    %c0_i32_1 = arith.constant 0 : i32
    return %c0_i32, %c0_i32_0 : i32, i32
  }
  func.func @transform_2(%arg0: i32) -> (i32, i32) {
    %c0_i32 = arith.constant 0 : i32
    %c0_i32_0 = arith.constant 0 : i32
    return %arg0, %c0_i32 : i32, i32
  }
}

module attributes {stable_mosaic.version = 14 : i64} {
  func.func @_gru_body(%arg0: i32, %arg1: memref<1000x128xf32, #tpu.memory_space<vmem>>, %arg2: memref<1000x128xf32, #tpu.memory_space<vmem>>, %arg3: memref<1000x128xf32, #tpu.memory_space<vmem>>, %arg4: memref<128x384xf32, #tpu.memory_space<vmem>>, %arg5: memref<128x384xf32, #tpu.memory_space<vmem>>, %arg6: memref<1x384xf32, #tpu.memory_space<vmem>>, %arg7: memref<1x384xf32, #tpu.memory_space<vmem>>, %arg8: memref<1x256xf32, #tpu.memory_space<vmem>>, %arg9: memref<1x256xf32, #tpu.memory_space<vmem>>, %arg10: memref<256x64xf32, #tpu.memory_space<vmem>>, %arg11: memref<1x64xf32, #tpu.memory_space<vmem>>, %arg12: memref<1x64xf32, #tpu.memory_space<vmem>>, %arg13: memref<1x64xf32, #tpu.memory_space<vmem>>, %arg14: memref<64x1xf32, #tpu.memory_space<vmem>>, %arg15: memref<1x1xf32, #tpu.memory_space<vmem>>, %arg16: memref<1x1xf32, #tpu.memory_space<vmem>>, %arg17: memref<1x256xf32, #tpu.memory_space<vmem>>, %arg18: memref<1x128xf32, #tpu.memory_space<vmem>>, %arg19: memref<1x128xf32, #tpu.memory_space<vmem>>) attributes {dimension_semantics = [#tpu.dimension_semantics<arbitrary>], iteration_bounds = array<i64: 10>, scalar_prefetch = 0 : i64, scratch_operands = 2 : i64, tpu.core_type = #tpu.core_type<tc>, window_params = [{transform_indices = @transform_0, window_bounds = array<i64: 1000, 128>}, {transform_indices = @transform_1, window_bounds = array<i64: 1000, 128>}, {transform_indices = @transform_2, window_bounds = array<i64: 1000, 128>}, {pipeline_mode = #tpu.pipeline_mode<synchronous>, transform_indices = @transform_3, window_bounds = array<i64: 128, 384>}, {pipeline_mode = #tpu.pipeline_mode<synchronous>, transform_indices = @transform_4, window_bounds = array<i64: 128, 384>}, {pipeline_mode = #tpu.pipeline_mode<synchronous>, transform_indices = @transform_5, window_bounds = array<i64: 1, 384>}, {pipeline_mode = #tpu.pipeline_mode<synchronous>, transform_indices = @transform_6, window_bounds = array<i64: 1, 384>}, {pipeline_mode = #tpu.pipeline_mode<synchronous>, transform_indices = @transform_7, window_bounds = array<i64: 1, 256>}, {pipeline_mode = #tpu.pipeline_mode<synchronous>, transform_indices = @transform_8, window_bounds = array<i64: 1, 256>}, {pipeline_mode = #tpu.pipeline_mode<synchronous>, transform_indices = @transform_9, window_bounds = array<i64: 256, 64>}, {pipeline_mode = #tpu.pipeline_mode<synchronous>, transform_indices = @transform_10, window_bounds = array<i64: 1, 64>}, {pipeline_mode = #tpu.pipeline_mode<synchronous>, transform_indices = @transform_11, window_bounds = array<i64: 1, 64>}, {pipeline_mode = #tpu.pipeline_mode<synchronous>, transform_indices = @transform_12, window_bounds = array<i64: 1, 64>}, {pipeline_mode = #tpu.pipeline_mode<synchronous>, transform_indices = @transform_13, window_bounds = array<i64: 64, 1>}, {pipeline_mode = #tpu.pipeline_mode<synchronous>, transform_indices = @transform_14, window_bounds = array<i64: 1, 1>}, {pipeline_mode = #tpu.pipeline_mode<synchronous>, transform_indices = @transform_15, window_bounds = array<i64: 1, 1>}, {pipeline_mode = #tpu.pipeline_mode<synchronous>, transform_indices = @transform_16, window_bounds = array<i64: 1, 256>}]} {
    %get3A = arith.constant 0 : index
    %get3A_0 = arith.constant 0 : index
    %get3A_1 = vector.load %arg1[%get3A, %get3A_0] : memref<1000x128xf32, #tpu.memory_space<vmem>>, vector<1000x128xf32>
    %get3A_2 = arith.constant 0 : index
    %get3A_3 = arith.constant 0 : index
    %get3A_4 = vector.load %arg2[%get3A_2, %get3A_3] : memref<1000x128xf32, #tpu.memory_space<vmem>>, vector<1000x128xf32>
    %add3A = arith.addf %get3A_1, %get3A_4 : vector<1000x128xf32>
    %get3A_5 = arith.constant 0 : index
    %get3A_6 = arith.constant 0 : index
    %get3A_7 = vector.load %arg3[%get3A_5, %get3A_6] : memref<1000x128xf32, #tpu.memory_space<vmem>>, vector<1000x128xf32>
    %get3A_8 = arith.constant 0 : index
    %get3A_9 = arith.constant 0 : index
    %get3A_10 = vector.load %arg4[%get3A_8, %get3A_9] : memref<128x384xf32, #tpu.memory_space<vmem>>, vector<128x384xf32>
    %dot_general3A = arith.constant dense<0.000000e+00> : vector<1000x384xf32>
    %dot_general3A_11 = tpu.matmul %add3A, %get3A_10, %dot_general3A {dimension_numbers = #tpu.dot_dimension_numbers<[1], [0], [0], [1], [0, 0, 1, 1], [], []>, transpose_lhs_hint = false} : vector<1000x128xf32>, vector<128x384xf32>, vector<1000x384xf32> -> vector<1000x384xf32>
    %get3A_12 = arith.constant 0 : index
    %get3A_13 = arith.constant 0 : index
    %get3A_14 = vector.load %arg6[%get3A_12, %get3A_13] : memref<1x384xf32, #tpu.memory_space<vmem>>, vector<1x384xf32>
    %add3A_15 = vector.broadcast %get3A_14 : vector<1x384xf32> to vector<1000x384xf32>
    %add3A_16 = arith.addf %dot_general3A_11, %add3A_15 : vector<1000x384xf32>
    %get3A_17 = arith.constant 0 : index
    %get3A_18 = arith.constant 0 : index
    %get3A_19 = vector.load %arg5[%get3A_17, %get3A_18] : memref<128x384xf32, #tpu.memory_space<vmem>>, vector<128x384xf32>
    %dot_general3A_20 = arith.constant dense<0.000000e+00> : vector<1000x384xf32>
    %dot_general3A_21 = tpu.matmul %get3A_7, %get3A_19, %dot_general3A_20 {dimension_numbers = #tpu.dot_dimension_numbers<[1], [0], [0], [1], [0, 0, 1, 1], [], []>, transpose_lhs_hint = false} : vector<1000x128xf32>, vector<128x384xf32>, vector<1000x384xf32> -> vector<1000x384xf32>
    %get3A_22 = arith.constant 0 : index
    %get3A_23 = arith.constant 0 : index
    %get3A_24 = vector.load %arg7[%get3A_22, %get3A_23] : memref<1x384xf32, #tpu.memory_space<vmem>>, vector<1x384xf32>
    %add3A_25 = vector.broadcast %get3A_24 : vector<1x384xf32> to vector<1000x384xf32>
    %add3A_26 = arith.addf %dot_general3A_21, %add3A_25 : vector<1000x384xf32>
    %slice3A = vector.extract_strided_slice %add3A_16 {offsets = [0, 0], sizes = [1000, 128], strides = [1, 1]} : vector<1000x384xf32> to vector<1000x128xf32>
    %slice3A_27 = vector.extract_strided_slice %add3A_26 {offsets = [0, 0], sizes = [1000, 128], strides = [1, 1]} : vector<1000x384xf32> to vector<1000x128xf32>
    %add3A_28 = arith.addf %slice3A, %slice3A_27 : vector<1000x128xf32>
    %logistic3A = arith.negf %add3A_28 : vector<1000x128xf32>
    %logistic3A_29 = math.exp %logistic3A : vector<1000x128xf32>
    %logistic3A_30 = arith.constant 1.000000e+00 : f32
    %logistic3A_31 = vector.broadcast %logistic3A_30 : f32 to vector<1000x128xf32>
    %logistic3A_32 = arith.addf %logistic3A_31, %logistic3A_29 : vector<1000x128xf32>
    %logistic3A_33 = arith.divf %logistic3A_31, %logistic3A_32 : vector<1000x128xf32>
    %slice3A_34 = vector.extract_strided_slice %add3A_16 {offsets = [0, 128], sizes = [1000, 128], strides = [1, 1]} : vector<1000x384xf32> to vector<1000x128xf32>
    %slice3A_35 = vector.extract_strided_slice %add3A_26 {offsets = [0, 128], sizes = [1000, 128], strides = [1, 1]} : vector<1000x384xf32> to vector<1000x128xf32>
    %add3A_36 = arith.addf %slice3A_34, %slice3A_35 : vector<1000x128xf32>
    %logistic3A_37 = arith.negf %add3A_36 : vector<1000x128xf32>
    %logistic3A_38 = math.exp %logistic3A_37 : vector<1000x128xf32>
    %logistic3A_39 = arith.constant 1.000000e+00 : f32
    %logistic3A_40 = vector.broadcast %logistic3A_39 : f32 to vector<1000x128xf32>
    %logistic3A_41 = arith.addf %logistic3A_40, %logistic3A_38 : vector<1000x128xf32>
    %logistic3A_42 = arith.divf %logistic3A_40, %logistic3A_41 : vector<1000x128xf32>
    %slice3A_43 = vector.extract_strided_slice %add3A_16 {offsets = [0, 256], sizes = [1000, 128], strides = [1, 1]} : vector<1000x384xf32> to vector<1000x128xf32>
    %slice3A_44 = vector.extract_strided_slice %add3A_26 {offsets = [0, 256], sizes = [1000, 128], strides = [1, 1]} : vector<1000x384xf32> to vector<1000x128xf32>
    %mul3A = arith.mulf %logistic3A_33, %slice3A_44 : vector<1000x128xf32>
    %add3A_45 = arith.addf %slice3A_43, %mul3A : vector<1000x128xf32>
    %tanh3A = math.tanh %add3A_45 : vector<1000x128xf32>
    %sub3A = arith.constant 1.000000e+00 : f32
    %sub3A_46 = vector.broadcast %sub3A : f32 to vector<1000x128xf32>
    %sub3A_47 = arith.subf %sub3A_46, %logistic3A_42 : vector<1000x128xf32>
    %mul3A_48 = arith.mulf %sub3A_47, %tanh3A : vector<1000x128xf32>
    %mul3A_49 = arith.mulf %logistic3A_42, %get3A_7 : vector<1000x128xf32>
    %add3A_50 = arith.addf %mul3A_48, %mul3A_49 : vector<1000x128xf32>
    %reduce_max3A = arith.constant dense<0xFF800000> : vector<128xf32>
    %reduce_max3A_51 = vector.multi_reduction <maximumf>, %get3A_7, %reduce_max3A [0] : vector<1000x128xf32> to vector<128xf32>
    %broadcast_in_dim3A = vector.shape_cast %reduce_max3A_51 : vector<128xf32> to vector<1x128xf32>
    %reduce_max3A_52 = arith.constant dense<0xFF800000> : vector<128xf32>
    %reduce_max3A_53 = vector.multi_reduction <maximumf>, %add3A_50, %reduce_max3A_52 [0] : vector<1000x128xf32> to vector<128xf32>
    %broadcast_in_dim3A_54 = vector.shape_cast %reduce_max3A_53 : vector<128xf32> to vector<1x128xf32>
    %eq3A = arith.constant 0 : i32
    %eq3A_55 = arith.cmpi eq, %arg0, %eq3A : i32
    %convert_element_type3A = arith.extui %eq3A_55 : i1 to i32
    %cond3A = arith.constant 0 : i32
    %cond3A_56 = arith.cmpi ne, %convert_element_type3A, %cond3A : i32
    scf.if %cond3A_56 {
      %swap3A = arith.constant 0 : index
      %swap3A_66 = arith.constant 0 : index
      %swap3A_67 = vector.load %arg18[%swap3A, %swap3A_66] : memref<1x128xf32, #tpu.memory_space<vmem>>, vector<1x128xf32>
      tpu.vector_store %arg18[%swap3A, %swap3A_66], %broadcast_in_dim3A {strides = array<i32>} : memref<1x128xf32, #tpu.memory_space<vmem>>, vector<1x128xf32>,
      %swap3A_68 = arith.constant 0 : index
      %swap3A_69 = arith.constant 0 : index
      %swap3A_70 = vector.load %arg19[%swap3A_68, %swap3A_69] : memref<1x128xf32, #tpu.memory_space<vmem>>, vector<1x128xf32>
      tpu.vector_store %arg19[%swap3A_68, %swap3A_69], %broadcast_in_dim3A_54 {strides = array<i32>} : memref<1x128xf32, #tpu.memory_space<vmem>>, vector<1x128xf32>,
    } else {
    }
    %gt3A = arith.constant 0 : i32
    %gt3A_57 = arith.cmpi sgt, %arg0, %gt3A : i32
    %convert_element_type3A_58 = arith.extui %gt3A_57 : i1 to i32
    %cond3A_59 = arith.constant 0 : i32
    %cond3A_60 = arith.cmpi ne, %convert_element_type3A_58, %cond3A_59 : i32
    scf.if %cond3A_60 {
      %get3A_66 = arith.constant 0 : index
      %get3A_67 = arith.constant 0 : index
      %get3A_68 = vector.load %arg18[%get3A_66, %get3A_67] : memref<1x128xf32, #tpu.memory_space<vmem>>, vector<1x128xf32>
      %max3A = arith.maximumf %get3A_68, %broadcast_in_dim3A : vector<1x128xf32>
      %swap3A = arith.constant 0 : index
      %swap3A_69 = arith.constant 0 : index
      %swap3A_70 = vector.load %arg18[%swap3A, %swap3A_69] : memref<1x128xf32, #tpu.memory_space<vmem>>, vector<1x128xf32>
      tpu.vector_store %arg18[%swap3A, %swap3A_69], %max3A {strides = array<i32>} : memref<1x128xf32, #tpu.memory_space<vmem>>, vector<1x128xf32>,
      %get3A_71 = arith.constant 0 : index
      %get3A_72 = arith.constant 0 : index
      %get3A_73 = vector.load %arg19[%get3A_71, %get3A_72] : memref<1x128xf32, #tpu.memory_space<vmem>>, vector<1x128xf32>
      %max3A_74 = arith.maximumf %get3A_73, %broadcast_in_dim3A_54 : vector<1x128xf32>
      %swap3A_75 = arith.constant 0 : index
      %swap3A_76 = arith.constant 0 : index
      %swap3A_77 = vector.load %arg19[%swap3A_75, %swap3A_76] : memref<1x128xf32, #tpu.memory_space<vmem>>, vector<1x128xf32>
      tpu.vector_store %arg19[%swap3A_75, %swap3A_76], %max3A_74 {strides = array<i32>} : memref<1x128xf32, #tpu.memory_space<vmem>>, vector<1x128xf32>,
    } else {
    }
    %eq3A_61 = arith.constant 9 : i32
    %eq3A_62 = arith.cmpi eq, %arg0, %eq3A_61 : i32
    %convert_element_type3A_63 = arith.extui %eq3A_62 : i1 to i32
    %cond3A_64 = arith.constant 0 : i32
    %cond3A_65 = arith.cmpi ne, %convert_element_type3A_63, %cond3A_64 : i32
    scf.if %cond3A_65 {
      %get3A_66 = arith.constant 0 : index
      %get3A_67 = arith.constant 0 : index
      %get3A_68 = vector.load %arg18[%get3A_66, %get3A_67] : memref<1x128xf32, #tpu.memory_space<vmem>>, vector<1x128xf32>
      %get3A_69 = arith.constant 0 : index
      %get3A_70 = arith.constant 0 : index
      %get3A_71 = vector.load %arg19[%get3A_69, %get3A_70] : memref<1x128xf32, #tpu.memory_space<vmem>>, vector<1x128xf32>
      %concatenate3A = tpu.concatenate %get3A_68, %get3A_71 in 1 : vector<1x128xf32>, vector<1x128xf32> -> vector<1x256xf32>
      %reduce_sum3A = arith.constant dense<0.000000e+00> : vector<1xf32>
      %reduce_sum3A_72 = vector.multi_reduction <add>, %concatenate3A, %reduce_sum3A [1] : vector<1x256xf32> to vector<1xf32>
      %broadcast_in_dim3A_73 = vector.shape_cast %reduce_sum3A_72 : vector<1xf32> to vector<1x1xf32>
      %div3A = arith.constant 2.560000e+02 : f32
      %div3A_74 = vector.broadcast %div3A : f32 to vector<1x1xf32>
      %div3A_75 = arith.divf %broadcast_in_dim3A_73, %div3A_74 : vector<1x1xf32>
      %sub3A_76 = vector.broadcast %div3A_75 : vector<1x1xf32> to vector<1x256xf32>
      %sub3A_77 = arith.subf %concatenate3A, %sub3A_76 : vector<1x256xf32>
      %integer_pow3A = arith.mulf %sub3A_77, %sub3A_77 : vector<1x256xf32>
      %reduce_sum3A_78 = arith.constant dense<0.000000e+00> : vector<1xf32>
      %reduce_sum3A_79 = vector.multi_reduction <add>, %integer_pow3A, %reduce_sum3A_78 [1] : vector<1x256xf32> to vector<1xf32>
      %broadcast_in_dim3A_80 = vector.shape_cast %reduce_sum3A_79 : vector<1xf32> to vector<1x1xf32>
      %div3A_81 = arith.constant 2.560000e+02 : f32
      %div3A_82 = vector.broadcast %div3A_81 : f32 to vector<1x1xf32>
      %div3A_83 = arith.divf %broadcast_in_dim3A_80, %div3A_82 : vector<1x1xf32>
      %sub3A_84 = vector.broadcast %div3A_75 : vector<1x1xf32> to vector<1x256xf32>
      %sub3A_85 = arith.subf %concatenate3A, %sub3A_84 : vector<1x256xf32>
      %add3A_86 = arith.constant 9.99999974E-6 : f32
      %add3A_87 = vector.broadcast %add3A_86 : f32 to vector<1x1xf32>
      %add3A_88 = arith.addf %div3A_83, %add3A_87 : vector<1x1xf32>
      %sqrt3A = math.sqrt %add3A_88 : vector<1x1xf32>
      %div3A_89 = vector.broadcast %sqrt3A : vector<1x1xf32> to vector<1x256xf32>
      %div3A_90 = arith.divf %sub3A_85, %div3A_89 : vector<1x256xf32>
      %get3A_91 = arith.constant 0 : index
      %get3A_92 = arith.constant 0 : index
      %get3A_93 = vector.load %arg8[%get3A_91, %get3A_92] : memref<1x256xf32, #tpu.memory_space<vmem>>, vector<1x256xf32>
      %mul3A_94 = arith.mulf %div3A_90, %get3A_93 : vector<1x256xf32>
      %get3A_95 = arith.constant 0 : index
      %get3A_96 = arith.constant 0 : index
      %get3A_97 = vector.load %arg9[%get3A_95, %get3A_96] : memref<1x256xf32, #tpu.memory_space<vmem>>, vector<1x256xf32>
      %add3A_98 = arith.addf %mul3A_94, %get3A_97 : vector<1x256xf32>
      %get3A_99 = arith.constant 0 : index
      %get3A_100 = arith.constant 0 : index
      %get3A_101 = vector.load %arg10[%get3A_99, %get3A_100] : memref<256x64xf32, #tpu.memory_space<vmem>>, vector<256x64xf32>
      %dot_general3A_102 = arith.constant dense<0.000000e+00> : vector<1x64xf32>
      %dot_general3A_103 = tpu.matmul %add3A_98, %get3A_101, %dot_general3A_102 {dimension_numbers = #tpu.dot_dimension_numbers<[1], [0], [0], [1], [0, 0, 1, 1], [], []>, transpose_lhs_hint = false} : vector<1x256xf32>, vector<256x64xf32>, vector<1x64xf32> -> vector<1x64xf32>
      %get3A_104 = arith.constant 0 : index
      %get3A_105 = arith.constant 0 : index
      %get3A_106 = vector.load %arg11[%get3A_104, %get3A_105] : memref<1x64xf32, #tpu.memory_space<vmem>>, vector<1x64xf32>
      %add3A_107 = arith.addf %dot_general3A_103, %get3A_106 : vector<1x64xf32>
      %max3A = arith.constant 0.000000e+00 : f32
      %max3A_108 = vector.broadcast %max3A : f32 to vector<1x64xf32>
      %max3A_109 = arith.maximumf %add3A_107, %max3A_108 : vector<1x64xf32>
      %reduce_sum3A_110 = arith.constant dense<0.000000e+00> : vector<1xf32>
      %reduce_sum3A_111 = vector.multi_reduction <add>, %max3A_109, %reduce_sum3A_110 [1] : vector<1x64xf32> to vector<1xf32>
      %broadcast_in_dim3A_112 = vector.shape_cast %reduce_sum3A_111 : vector<1xf32> to vector<1x1xf32>
      %div3A_113 = arith.constant 6.400000e+01 : f32
      %div3A_114 = vector.broadcast %div3A_113 : f32 to vector<1x1xf32>
      %div3A_115 = arith.divf %broadcast_in_dim3A_112, %div3A_114 : vector<1x1xf32>
      %sub3A_116 = vector.broadcast %div3A_115 : vector<1x1xf32> to vector<1x64xf32>
      %sub3A_117 = arith.subf %max3A_109, %sub3A_116 : vector<1x64xf32>
      %integer_pow3A_118 = arith.mulf %sub3A_117, %sub3A_117 : vector<1x64xf32>
      %reduce_sum3A_119 = arith.constant dense<0.000000e+00> : vector<1xf32>
      %reduce_sum3A_120 = vector.multi_reduction <add>, %integer_pow3A_118, %reduce_sum3A_119 [1] : vector<1x64xf32> to vector<1xf32>
      %broadcast_in_dim3A_121 = vector.shape_cast %reduce_sum3A_120 : vector<1xf32> to vector<1x1xf32>
      %div3A_122 = arith.constant 6.400000e+01 : f32
      %div3A_123 = vector.broadcast %div3A_122 : f32 to vector<1x1xf32>
      %div3A_124 = arith.divf %broadcast_in_dim3A_121, %div3A_123 : vector<1x1xf32>
      %sub3A_125 = vector.broadcast %div3A_115 : vector<1x1xf32> to vector<1x64xf32>
      %sub3A_126 = arith.subf %max3A_109, %sub3A_125 : vector<1x64xf32>
      %add3A_127 = arith.constant 9.99999974E-6 : f32
      %add3A_128 = vector.broadcast %add3A_127 : f32 to vector<1x1xf32>
      %add3A_129 = arith.addf %div3A_124, %add3A_128 : vector<1x1xf32>
      %sqrt3A_130 = math.sqrt %add3A_129 : vector<1x1xf32>
      %div3A_131 = vector.broadcast %sqrt3A_130 : vector<1x1xf32> to vector<1x64xf32>
      %div3A_132 = arith.divf %sub3A_126, %div3A_131 : vector<1x64xf32>
      %get3A_133 = arith.constant 0 : index
      %get3A_134 = arith.constant 0 : index
      %get3A_135 = vector.load %arg12[%get3A_133, %get3A_134] : memref<1x64xf32, #tpu.memory_space<vmem>>, vector<1x64xf32>
      %mul3A_136 = arith.mulf %div3A_132, %get3A_135 : vector<1x64xf32>
      %get3A_137 = arith.constant 0 : index
      %get3A_138 = arith.constant 0 : index
      %get3A_139 = vector.load %arg13[%get3A_137, %get3A_138] : memref<1x64xf32, #tpu.memory_space<vmem>>, vector<1x64xf32>
      %add3A_140 = arith.addf %mul3A_136, %get3A_139 : vector<1x64xf32>
      %get3A_141 = arith.constant 0 : index
      %get3A_142 = arith.constant 0 : index
      %get3A_143 = vector.load %arg14[%get3A_141, %get3A_142] : memref<64x1xf32, #tpu.memory_space<vmem>>, vector<64x1xf32>
      %reshape3A = vector.shape_cast %get3A_143 : vector<64x1xf32> to vector<1x64xf32>
      %mul3A_144 = arith.mulf %add3A_140, %reshape3A : vector<1x64xf32>
      %reduce_sum3A_145 = arith.constant dense<0.000000e+00> : vector<1xf32>
      %reduce_sum3A_146 = vector.multi_reduction <add>, %mul3A_144, %reduce_sum3A_145 [1] : vector<1x64xf32> to vector<1xf32>
      %broadcast_in_dim3A_147 = vector.shape_cast %reduce_sum3A_146 : vector<1xf32> to vector<1x1xf32>
      %get3A_148 = arith.constant 0 : index
      %get3A_149 = arith.constant 0 : index
      %get3A_150 = vector.load %arg15[%get3A_148, %get3A_149] : memref<1x1xf32, #tpu.memory_space<vmem>>, vector<1x1xf32>
      %add3A_151 = arith.addf %broadcast_in_dim3A_147, %get3A_150 : vector<1x1xf32>
      %swap3A = arith.constant 0 : index
      %swap3A_152 = arith.constant 0 : index
      %swap3A_153 = vector.load %arg16[%swap3A, %swap3A_152] : memref<1x1xf32, #tpu.memory_space<vmem>>, vector<1x1xf32>
      tpu.vector_store %arg16[%swap3A, %swap3A_152], %add3A_151 {strides = array<i32>} : memref<1x1xf32, #tpu.memory_space<vmem>>, vector<1x1xf32>,
      %swap3A_154 = arith.constant 0 : index
      %swap3A_155 = arith.constant 0 : index
      %swap3A_156 = vector.load %arg17[%swap3A_154, %swap3A_155] : memref<1x256xf32, #tpu.memory_space<vmem>>, vector<1x256xf32>
      tpu.vector_store %arg17[%swap3A_154, %swap3A_155], %concatenate3A {strides = array<i32>} : memref<1x256xf32, #tpu.memory_space<vmem>>, vector<1x256xf32>,
    } else {
    }
    return
  }
  func.func @transform_0(%arg0: i32) -> (i32, i32) {
    %c0_i32 = arith.constant 0 : i32
    %c0_i32_0 = arith.constant 0 : i32
    return %arg0, %c0_i32 : i32, i32
  }
  func.func @transform_1(%arg0: i32) -> (i32, i32) {
    %c0_i32 = arith.constant 0 : i32
    %c0_i32_0 = arith.constant 0 : i32
    return %arg0, %c0_i32 : i32, i32
  }
  func.func @transform_2(%arg0: i32) -> (i32, i32) {
    %c0_i32 = arith.constant 0 : i32
    %c0_i32_0 = arith.constant 0 : i32
    return %arg0, %c0_i32 : i32, i32
  }
  func.func @transform_3(%arg0: i32) -> (i32, i32) {
    %c0_i32 = arith.constant 0 : i32
    %c0_i32_0 = arith.constant 0 : i32
    %c0_i32_1 = arith.constant 0 : i32
    return %c0_i32, %c0_i32_0 : i32, i32
  }
  func.func @transform_4(%arg0: i32) -> (i32, i32) {
    %c0_i32 = arith.constant 0 : i32
    %c0_i32_0 = arith.constant 0 : i32
    %c0_i32_1 = arith.constant 0 : i32
    return %c0_i32, %c0_i32_0 : i32, i32
  }
  func.func @transform_5(%arg0: i32) -> (i32, i32) {
    %c0_i32 = arith.constant 0 : i32
    %c0_i32_0 = arith.constant 0 : i32
    %c0_i32_1 = arith.constant 0 : i32
    return %c0_i32, %c0_i32_0 : i32, i32
  }
  func.func @transform_6(%arg0: i32) -> (i32, i32) {
    %c0_i32 = arith.constant 0 : i32
    %c0_i32_0 = arith.constant 0 : i32
    %c0_i32_1 = arith.constant 0 : i32
    return %c0_i32, %c0_i32_0 : i32, i32
  }
  func.func @transform_7(%arg0: i32) -> (i32, i32) {
    %c0_i32 = arith.constant 0 : i32
    %c0_i32_0 = arith.constant 0 : i32
    %c0_i32_1 = arith.constant 0 : i32
    return %c0_i32, %c0_i32_0 : i32, i32
  }
  func.func @transform_8(%arg0: i32) -> (i32, i32) {
    %c0_i32 = arith.constant 0 : i32
    %c0_i32_0 = arith.constant 0 : i32
    %c0_i32_1 = arith.constant 0 : i32
    return %c0_i32, %c0_i32_0 : i32, i32
  }
  func.func @transform_9(%arg0: i32) -> (i32, i32) {
    %c0_i32 = arith.constant 0 : i32
    %c0_i32_0 = arith.constant 0 : i32
    %c0_i32_1 = arith.constant 0 : i32
    return %c0_i32, %c0_i32_0 : i32, i32
  }
  func.func @transform_10(%arg0: i32) -> (i32, i32) {
    %c0_i32 = arith.constant 0 : i32
    %c0_i32_0 = arith.constant 0 : i32
    %c0_i32_1 = arith.constant 0 : i32
    return %c0_i32, %c0_i32_0 : i32, i32
  }
  func.func @transform_11(%arg0: i32) -> (i32, i32) {
    %c0_i32 = arith.constant 0 : i32
    %c0_i32_0 = arith.constant 0 : i32
    %c0_i32_1 = arith.constant 0 : i32
    return %c0_i32, %c0_i32_0 : i32, i32
  }
  func.func @transform_12(%arg0: i32) -> (i32, i32) {
    %c0_i32 = arith.constant 0 : i32
    %c0_i32_0 = arith.constant 0 : i32
    %c0_i32_1 = arith.constant 0 : i32
    return %c0_i32, %c0_i32_0 : i32, i32
  }
  func.func @transform_13(%arg0: i32) -> (i32, i32) {
    %c0_i32 = arith.constant 0 : i32
    %c0_i32_0 = arith.constant 0 : i32
    %c0_i32_1 = arith.constant 0 : i32
    return %c0_i32, %c0_i32_0 : i32, i32
  }
  func.func @transform_14(%arg0: i32) -> (i32, i32) {
    %c0_i32 = arith.constant 0 : i32
    %c0_i32_0 = arith.constant 0 : i32
    %c0_i32_1 = arith.constant 0 : i32
    return %c0_i32, %c0_i32_0 : i32, i32
  }
  func.func @transform_15(%arg0: i32) -> (i32, i32) {
    %c0_i32 = arith.constant 0 : i32
    %c0_i32_0 = arith.constant 0 : i32
    %c0_i32_1 = arith.constant 0 : i32
    return %c0_i32, %c0_i32_0 : i32, i32
  }
  func.func @transform_16(%arg0: i32) -> (i32, i32) {
    %c0_i32 = arith.constant 0 : i32
    %c0_i32_0 = arith.constant 0 : i32
    %c0_i32_1 = arith.constant 0 : i32
    return %c0_i32, %c0_i32_0 : i32, i32
  }
}

</mosaic_0001>

<sc_bundles>
// kernel: kernel.6.cloned.1.call-start
scs
__scs_entry_jumppad:
0x0: {  	(pc) =	sbr.rel $0x88, $3  }
0x1: {  	(tag) =	ssettag $0x0;
	lr =	simm.s32 $0x1  }
0x2: {  	[smem:$0x3F91] =	sst lr;
	_ =	strace $0xD0000000  }
0x3: {  	_ = 	snop  }
0x4: {  	_ = 	snop  }
0x5: {  	_ = 	snop  }
0x6: {  	_ = 	snop  }
0x7: {  	_ = 	snop  }
__scs_overlays_trampoline_lowered:
0x8: {  	[smem:$0x3FA0] =	sst s0  }
0x9: {  	[smem:$0x3FA1] =	sst s1  }
0xa: {  	[smem:$0x3FA2] =	sst s2  }
0xb: {  	[smem:$0x3FA3] =	sst s3  }
0xc: {  	[smem:$0x3FA4] =	sst s4  }
0xd: {  	[smem:$0x3FA5] =	sst s5  }
0xe: {  	[smem:$0x3FA6] =	sst s6  }
0xf: {  	[smem:$0x3FA7] =	sst s7  }
0x10: {  	[smem:$0x3FA8] =	sst s8  }
0x11: {  	[smem:$0x3FA9] =	sst s9;
	s0 =	simm.s32 @!p0 $0x0  }
0x12: {  	s1 =	sld [smem:$0x3F8F];
	s0 =	simm.s32 @p0 $0x1  }
0x13: {  	[smem:$0x3FAA] =	sst s0;
	s0 =	simm.s32 @!p1 $0x0  }
0x14: {  	s2 =	sld [smem:$0x3F8E];
	s0 =	simm.s32 @p1 $0x1  }
0x15: {  	[smem:$0x3FAB] =	sst s0;
	s0 =	simm.s32 @!p2 $0x0  }
0x16: {  	s3 =	sld [smem:$0x3FDB];
	s0 =	simm.s32 @p2 $0x1  }
0x17: {  	s4 =	simm.s32 $0x1BF5;
	[smem:$0x3FAD] =	sst s0  }
0x18: {  	s0 =	sld [smem:$0x3F90];
	_ =	swait.ge [sflag:s4], $0x0  }
0x19: {  	s7 =	sld [smem:$0x3F91]  }
0x1a: {  	s8 =	sadd.s32 $0xFFFFE003, lr  }
0x1b: {  	s9 =	sadd.s32 $0xFFFFFEF7, lr;
	s5 =	simm.s32 $0xFFFFFFFF;
	p2 =	slt.u32 s8, $0xFFFFF086  }
0x1c: {  	p1 =	slt.u32 s9, $0xF7A;
	s5 =	simm.s32 @!p2 $0x0  }
0x1d: {  	s5 =	simm.s32 @p1 $0x1;
	p0 =	seq.s32 s7, s2  }
0x1e: {  	s7 =	smul.u32 @!p0 $0xF7A, s2;
	p2 =	seq.s32 @!p0 s5, $0x0  }
0x1f: {  	s9 =	smul.u32 $0xF7A, s1;
	s8 =	simm.s32 @!p0 $0x1BF5;
	p2 =	por !p2, p0  }
0x20: {  	[sflag:s8] =	ssyncset.s32 @!p0 $0xFFFFF086;
	s6 =	sadd.s32 @!p0 s3, s7;
	s7 =	simm.s32 @!p0 $0x108  }
0x21: {  	s3 =	sadd.s32 s3, s9;
	s6 =	sadd.s32 @!p0 $0x88, s6;
	s7 =	simm.s32 @p2 $0x1082  }
0x22: {  	[simem:s7], [sflag:s8] =	dma.local @!p0 [hbm:s6], $0xF7A  }
0x23: {  	s9 =	sor.u32 $0xD0000000, s2;
	s6 =	simm.s32 $0x108;
	_ =	swait.ge @!p0 [sflag:s8], $0x0  }
0x24: {  	s3 =	sadd.s32 $0x88, s3;
	s6 =	simm.s32 @!p1 $0x1082;
	[sflag:s4] =	ssyncset.s32 $0xFFFFF086  }
0x25: {  	[simem:s6], [sflag:s4] =	dma.local [hbm:s3], $0xF7A  }
0x26: {  	[smem:$0x3F91] =	sst s1;
	(tag) =	ssettag s2;
	_ =	strace s9  }
0x27: {  	s1 =	sld [smem:$0x3FA1]  }
0x28: {  	s2 =	sld [smem:$0x3FA2]  }
0x29: {  	s4 =	sld [smem:$0x3FA4]  }
0x2a: {  	p0 =	seq.s32 s5, $0x0;
	s5 =	sld [smem:$0x3FA5]  }
0x2b: {  	s6 =	sld [smem:$0x3FA6]  }
0x2c: {  	s7 =	sld [smem:$0x3FA7]  }
0x2d: {  	s3 =	simm.s32 $0x108;
	s8 =	sld [smem:$0x3FA8]  }
0x2e: {  	s3 =	simm.s32 @!p0 $0x1082;
	s9 =	sld [smem:$0x3FA9]  }
0x2f: {  	lr =	sadd.s32 s0, s3;
	s0 =	sld [smem:$0x3FA0]  }
0x30: {  	s3 =	sld [smem:$0x3FA3]  }
0x31: {  	[smem:$0x3FAC] =	sst s10  }
0x32: {  	s10 =	sld [smem:$0x3FAA];
	_ =	sdelay $0x3  }
0x33: {  	p0 =	seq.s32 s10, $0x1;
	s10 =	sld [smem:$0x3FAC];
	_ =	sdelay $0x3  }
0x34: {  	[smem:$0x3FAC] =	sst s10  }
0x35: {  	s10 =	sld [smem:$0x3FAB];
	_ =	sdelay $0x3  }
0x36: {  	p1 =	seq.s32 s10, $0x1;
	s10 =	sld [smem:$0x3FAC];
	_ =	sdelay $0x3  }
0x37: {  	[smem:$0x3FAC] =	sst s10  }
0x38: {  	s10 =	sld [smem:$0x3FAD]  }
0x39: {  	_ = 	snop;
	(pc) =	sbr.ind lr, $3  }
0x3a: {  	_ = 	snop  }
0x3b: {  	_ = 	snop  }
0x3c: {  	p2 =	seq.s32 s10, $0x1;
	s10 =	sld [smem:$0x3FAC]  }
0x3d: {  	_ =	shalt  }
0x3e: {  	_ =	shalt  }
0x3f: {  	_ =	shalt  }
0x40: {  	_ =	shalt  }
0x41: {  	_ =	shalt  }
0x42: {  	_ =	shalt  }
0x43: {  	_ =	shalt  }
0x44: {  	_ =	shalt  }
0x45: {  	_ =	shalt  }
0x46: {  	_ =	shalt  }
0x47: {  	_ =	shalt  }
0x48: {  	_ =	shalt  }
0x49: {  	_ =	shalt  }
0x4a: {  	_ =	shalt  }
0x4b: {  	_ =	shalt  }
0x4c: {  	_ =	shalt  }
0x4d: {  	_ =	shalt  }
0x4e: {  	_ =	shalt  }
0x4f: {  	_ =	shalt  }
0x50: {  	_ =	shalt  }
0x51: {  	_ =	shalt  }
0x52: {  	_ =	shalt  }
0x53: {  	_ =	shalt  }
0x54: {  	_ =	shalt  }
0x55: {  	_ =	shalt  }
0x56: {  	_ =	shalt  }
0x57: {  	_ =	shalt  }
0x58: {  	_ =	shalt  }
0x59: {  	_ =	shalt  }
0x5a: {  	_ =	shalt  }
0x5b: {  	_ =	shalt  }
0x5c: {  	_ =	shalt  }
0x5d: {  	_ =	shalt  }
0x5e: {  	_ =	shalt  }
0x5f: {  	_ =	shalt  }
0x60: {  	_ =	shalt  }
0x61: {  	_ =	shalt  }
0x62: {  	_ =	shalt  }
0x63: {  	_ =	shalt  }
0x64: {  	_ =	shalt  }
0x65: {  	_ =	shalt  }
0x66: {  	_ =	shalt  }
0x67: {  	_ =	shalt  }
0x68: {  	_ =	shalt  }
0x69: {  	_ =	shalt  }
0x6a: {  	_ =	shalt  }
0x6b: {  	_ =	shalt  }
0x6c: {  	_ =	shalt  }
0x6d: {  	_ =	shalt  }
0x6e: {  	_ =	shalt  }
0x6f: {  	_ =	shalt  }
0x70: {  	_ =	shalt  }
0x71: {  	_ =	shalt  }
0x72: {  	_ =	shalt  }
0x73: {  	_ =	shalt  }
0x74: {  	_ =	shalt  }
0x75: {  	_ =	shalt  }
0x76: {  	_ =	shalt  }
0x77: {  	_ =	shalt  }
0x78: {  	_ =	shalt  }
0x79: {  	_ =	shalt  }
0x7a: {  	_ =	shalt  }
0x7b: {  	_ =	shalt  }
0x7c: {  	_ =	shalt  }
0x7d: {  	_ =	shalt  }
0x7e: {  	_ =	shalt  }
0x7f: {  	_ =	shalt  }
0x80: {  	_ =	shalt  }
0x81: {  	_ =	shalt  }
0x82: {  	_ =	shalt  }
0x83: {  	_ =	shalt  }
0x84: {  	_ =	shalt  }
0x85: {  	_ =	shalt  }
0x86: {  	_ =	shalt  }
0x87: {  	_ =	shalt  }
.Lfunc_end0:
.L_simem_size_0:
called_computation_lowered:
.L_overlay_start_0:
0x88: {  	s2 =	sld [smem:$0x3FD9]  }
0x89: {  	s3 =	sld [smem:$0x3FFE];
	_ =	sdelay $0x1  }
0x8a: {  	s1 =	srdreg.scid  }
0x8b: {  	s0 =	sand.u32 $0x1, s1  }
0x8c: {  	s17 =	sshll.u32 s0, $0xA;
	s2 =	sadd.s32 s3, s2  }
0x8d: {  	s2 =	sadd.s32 s2, s17  }
0x8e: {  	[smem:$0x3FB8] =	sst s2  }
0x8f: {  	_ = 	snop  }
0x90: {  	s2 =	sld [smem:$0x3FC9]  }
0x91: {  	s18 =	sld [smem:$0x3FC7];
	(tm) =	ssettm $0x1  }
0x92: {  	s4 =	sld [smem:$0x3FFB];
	_ =	sdelay $0x3  }
0x93: {  	_ =	strace s4  }
0x94: {  	s4 =	sld [smem:$0x3FFC];
	_ =	sdelay $0x3  }
0x95: {  	_ =	strace s4  }
0x96: {  	s4 =	sld [smem:$0x3FFD];
	_ =	sdelay $0x3  }
0x97: {  	_ =	strace s4  }
0x98: {  	_ =	strace $0x8FFFFFFF  }
0x99: {  	s19 =	sld [smem:$0x3FDB];
	_ =	sdelay $0x1  }
0x9a: {  	s5 =	simm.s32 $_scs_section_size  }
0x9b: {  	s6 =	simm.s32 $_size__tile_overlayer_lowered;
	s7 =	simm.s32 $_tile_overlayer_lowered  }
0x9c: {  	s22 =	simm.s32 $0x1BFF;
	s21 =	sshll.u32 s7, $0x1;
	s4 =	sadd.s32 s5, s19  }
0x9d: {  	s8 =	simm.s32 $0x0;
	s20 =	sshll.u32 s6, $0x1;
	s6 =	sadd.s32 s21, s4  }
0x9e: {  	[timem:s8], [sflag:s22] =	dma.local [hbm:s6], s20  }
0x9f: {  	_ =	swait.ge [sflag:s22], s20  }
0xa0: {  	s5 =	ssub.s32 $0x0, s20;
	[sflag:s22] =	ssyncset.done $0x0  }
0xa1: {  	[sflag:s22] =	ssyncadd.s32 s5;
	_ =	sdelay $0x1  }
0xa2: {  	s23 =	simm.s32 $0x1B8B  }
0xa3: {  	_ =	swait.ge [sflag:s23], $0x1  }
0xa4: {  	[sflag:s23] =	ssyncset.done $0x0  }
0xa5: {  	s25 =	simm.s32 $0x1B8E;
	s24 =	sld [smem:$0x3FFE];
	[sflag:s23] =	ssyncadd.s32 $0xFFFFFFFF  }
0xa6: {  	s26 =	simm.s32 $execute0_lowered;
	[smem:$0x3FD2] =	sst s25  }
0xa7: {  	s6 =	sshll.u32 s26, $0x1;
	_ =	strace $0x80000046;
	[dreg:$0x1] =	wrdreg $0xFFFFFFFF  }
0xa8: {  	s28 =	simm.s32 $_size_execute0_lowered;
	s4 =	sadd.s32 s4, s6;
	[dreg:$0x0] =	wrdreg $0x0  }
0xa9: {  	s6 =	sshll.u32 s28, $0x1;
	[dreg:$0x2] =	wrdreg s4  }
0xaa: {  	[dreg:$0x3] =	wrdreg s6  }
0xab: {  	[dreg:$0x4] =	wrdreg $0xC0  }
0xac: {  	_ =	task [dreg:s8], $0x5FFFF  }
0xad: {  	[dreg:$0x1] =	wrdreg $0xFFFFFFFF  }
0xae: {  	[dreg:$0x0] =	wrdreg $0x60  }
0xaf: {  	[dreg:$0x2] =	wrdreg s18  }
0xb0: {  	[dreg:$0x3] =	wrdreg s2  }
0xb1: {  	[dreg:$0x4] =	wrdreg s24  }
0xb2: {  	[dreg:$0x5] =	wrdreg $0x9  }
0xb3: {  	_ =	task.clear_ibuf [dreg:s8], $0x6FFFF;
	_ =	strace $0x90000046  }
0xb4: {  	s29 =	simm.s32 $0x9;
	_ =	strace $0x80000048  }
0xb5: {  	_ =	swait.ge [sflag:s29], $0x1  }
0xb6: {  	[sflag:s29] =	ssyncadd.s32 $0xFFFFFFFF  }
0xb7: {  	_ =	strace $0x90000048  }
0xb8: {  	_ =	sfence  }
0xb9: {  	s30 =	sld [smem:$0x0];
	_ =	sdelay $0x2  }
0xba: {  	s31 =	sshll.u32 s1, $0xD;
	s1 =	sshrl.u32 s1, $0x2  }
0xbb: {  	s3 =	sand.u32 $0x4000, s31;
	s1 =	sadd.s32 s1, s30  }
0xbc: {  	s0 =	sor.u32 s3, s0;
	s1 =	sshll.u32 s1, $0x11  }
0xbd: {  	s0 =	sor.u32 s1, s0  }
0xbe: {  	s0 =	sadd.s32 $0x8F2B, s0  }
0xbf: {  	[sflag:s0] =	ssyncadd.remote.s32 $0x1  }
0xc0: {  	_ =	sfence.sel $0xFFFF  }
0xc1: {  	[dreg:$0x0] =	wrdreg $0xFFFFFFFF;
	(pc) =	sbr.abs _section_cstart, $3  }
0xc2: {  	[dreg:$0x1] =	wrdreg $0xFFFFFFFF  }
0xc3: {  	_ =	task.clear_ibuf [dreg:s8], $0x2FFFF;
	_ =	strace $0x9FFFFFFF  }
0xc4: {  	(tm) =	ssettm $0x7FFFFFFF  }
0xc5: {  	_ =	shalt  }
tec
execute0_lowered:
.L_overlay_start_1:
0x0: {  	(tag) =	ssettag $0x1  }
0x1: {  	s1 =	srdreg.scid;
	s0 =	stileid.u32  }
0x2: {  	s2 =	rddreg [dreg:$0x0];
	s17 =	sand.u32 $0x1, s1;
	s30 =	sshll.u32 s0, $0x1  }
0x3: {  	s14 =	rddreg [dreg:$0x1];
	s15 =	sor.u32 s17, s30  }
0x4: {  	s9 =	rddreg [dreg:$0x2];
	s3 =	simm.s32 $0x0;
	s4 =	smul.u32 $0xA, s15  }
0x5: {  	s5 =	simm.s32 $0x2;
	[smem:$0x7FF] =	sst s3  }
0x6: {  	s1 =	rddreg [dreg:$0x3];
	_ =	strace $0x80000047;
	s4 =	sadd.s32 s14, s4  }
0x7: {  	[tilespmem:s3], [sflag:$0x2] =	stream.linear.gather [hbm4b:s4+s3], $0x50, $0x38;
	[tilespmem:$0x2880] =	vst v63  }
0x8: {  	_ =	swait.ge [sflag:s5], $0x50  }
0x9: {  	s6 =	simm.s32 $0x50;
	[sflag:s5] =	ssyncset.done $0x0  }
0xa: {  	s7 =	simm.s32 $0x80;
	s8 =	simm.s32 $0x1;
	[sflag:s5] =	ssyncadd.s32 $0xFFFFFFB0  }
0xb: {  	[tilespmem:s7], [sflag:$0x1] =	stream.indirect.gather [hbm4b:s2+s6], $0x80, s3, s6, $0xb8;
	[tilespmem:$0x2880] =	vst v63  }
0xc: {  	s10 =	smul.u32 $0x500, s15;
	_ =	swait.ge [sflag:s8], $0x2800  }
0xd: {  	s20 =	sadd.s32 $0x2200, s9;
	[sflag:s8] =	ssyncset.done $0x0  }
0xe: {  	s11 =	sor.u32 $0x20, s15;
	s9 =	sadd.s32 s20, s10;
	[sflag:s8] =	ssyncadd.s32 $0xFFFFD800  }
0xf: {  	[hbm4b:s9+s3] =	stream.linear.scatter [tilespmem:s7], [sflag:$0x2], $0x2800, $0x38;
	[tilespmem:$0x2880] =	vst v63  }
0x10: {  	s31 =	smul.u32 $0xA, s11;
	_ =	swait.ge [sflag:s5], $0x2800  }
0x11: {  	[sflag:s5] =	ssyncset.done $0x0  }
0x12: {  	s10 =	sadd.s32 s14, s31;
	[sflag:s5] =	ssyncadd.s32 $0xFFFFD800  }
0x13: {  	[tilespmem:s3], [sflag:$0x2] =	stream.linear.gather [hbm4b:s10+s3], $0x50, $0x38;
	[tilespmem:$0x2880] =	vst v63  }
0x14: {  	_ =	swait.ge [sflag:s5], $0x50  }
0x15: {  	[sflag:s5] =	ssyncset.done $0x0  }
0x16: {  	[sflag:s5] =	ssyncadd.s32 $0xFFFFFFB0  }
0x17: {  	[tilespmem:s7], [sflag:$0x1] =	stream.indirect.gather [hbm4b:s2+s6], $0x80, s3, s6, $0xb8;
	[tilespmem:$0x2880] =	vst v63  }
0x18: {  	s11 =	smul.u32 $0x500, s11;
	_ =	swait.ge [sflag:s8], $0x2800  }
0x19: {  	[sflag:s8] =	ssyncset.done $0x0  }
0x1a: {  	s13 =	sor.u32 $0x40, s15;
	s11 =	sadd.s32 s20, s11;
	[sflag:s8] =	ssyncadd.s32 $0xFFFFD800  }
0x1b: {  	[hbm4b:s11+s3] =	stream.linear.scatter [tilespmem:s7], [sflag:$0x2], $0x2800, $0x38;
	[tilespmem:$0x2880] =	vst v63  }
0x1c: {  	s12 =	smul.u32 $0xA, s13;
	_ =	swait.ge [sflag:s5], $0x2800  }
0x1d: {  	[sflag:s5] =	ssyncset.done $0x0  }
0x1e: {  	s12 =	sadd.s32 s14, s12;
	[sflag:s5] =	ssyncadd.s32 $0xFFFFD800  }
0x1f: {  	[tilespmem:s3], [sflag:$0x2] =	stream.linear.gather [hbm4b:s12+s3], $0x50, $0x38;
	[tilespmem:$0x2880] =	vst v63  }
0x20: {  	_ =	swait.ge [sflag:s5], $0x50  }
0x21: {  	[sflag:s5] =	ssyncset.done $0x0  }
0x22: {  	[sflag:s5] =	ssyncadd.s32 $0xFFFFFFB0  }
0x23: {  	[tilespmem:s7], [sflag:$0x1] =	stream.indirect.gather [hbm4b:s2+s6], $0x80, s3, s6, $0xb8;
	[tilespmem:$0x2880] =	vst v63  }
0x24: {  	s22 =	ssub.s32 $0x2, s17;
	s13 =	smul.u32 $0x500, s13;
	_ =	swait.ge [sflag:s8], $0x2800  }
0x25: {  	s21 =	sor.u32 $0x60, s15;
	p0 =	sgt.u32 s15, $0x1C;
	[sflag:s8] =	ssyncset.done $0x0  }
0x26: {  	s23 =	sshrl.u32 s22, $0x1;
	s13 =	sadd.s32 s20, s13;
	[sflag:s8] =	ssyncadd.s32 $0xFFFFD800  }
0x27: {  	[hbm4b:s13+s3] =	stream.linear.scatter [tilespmem:s7], [sflag:$0x2], $0x2800, $0x38;
	[tilespmem:$0x2880] =	vst v63  }
0x28: {  	s16 =	smul.u32 $0xA, s21;
	s15 =	simm.s32 @!p0 $0x2;
	_ =	swait.ge [sflag:s5], $0x2800  }
0x29: {  	s17 =	simm.s32 @!p0 $0x1;
	s18 =	simm.s32 @!p0 $0x50;
	[sflag:s5] =	ssyncset.done $0x0  }
0x2a: {  	s14 =	sadd.s32 s14, s16;
	s16 =	simm.s32 @!p0 $0x0;
	[sflag:s5] =	ssyncadd.s32 $0xFFFFD800  }
0x2b: {  	[tilespmem:s16], [sflag:$0x2] =	stream.linear.gather @!p0 [hbm4b:s14+s16], $0x50, $0x38;
	[tilespmem:$0x2880] =	vst v63  }
0x2c: {  	s22 =	ssub.s32 s22, s23;
	s21 =	smul.u32 $0x500, s21;
	_ =	swait.ge @!p0 [sflag:s15], $0x50  }
0x2d: {  	s19 =	simm.s32 @!p0 $0x80;
	s22 =	smax.u32 s22, $0x1;
	[sflag:s15] =	ssyncset.done @!p0 $0x0  }
0x2e: {  	s20 =	sadd.s32 s20, s21;
	s21 =	sadd.s32 $0xFFFFFFFF, s22;
	[sflag:s15] =	ssyncadd.s32 @!p0 $0xFFFFFFB0  }
0x2f: {  	[tilespmem:s19], [sflag:$0x1] =	stream.indirect.gather @!p0 [hbm4b:s2+s18], $0x80, s16, s18, $0xb8;
	[tilespmem:$0x2880] =	vst v63  }
0x30: {  	p1 =	sne.s32 s21, $0x0;
	_ =	swait.ge @!p0 [sflag:s17], $0x2800  }
.Ltmp0:
0x31: {  	[sflag:s17] =	ssyncset.done @!p0 $0x0;
	(pc) =	sbr.rel @!p1 .LBB2_2-.Ltmp0, $4  }
0x32: {  	[sflag:s17] =	ssyncadd.s32 @!p0 $0xFFFFD800  }
0x33: {  	[hbm4b:s20+s16] =	stream.linear.scatter @!p0 [tilespmem:s19], [sflag:$0x2], $0x2800, $0x38;
	[tilespmem:$0x2880] =	vst v63  }
0x34: {  	_ =	swait.ge @!p0 [sflag:s15], $0x2800  }
0x35: {  	[sflag:s15] =	ssyncset.done @!p0 $0x0  }
.LBB2_1:
0x36: {  	s21 =	sadd.s32 $0xFFFFFFFF, s21;
	[sflag:s15] =	ssyncadd.s32 @!p0 $0xFFFFD800  }
0x37: {  	[tilespmem:s3], [sflag:$0x2] =	stream.linear.gather [hbm4b:s4+s3], $0x50, $0x38;
	[tilespmem:$0x2880] =	vst v63  }
0x38: {  	p1 =	sne.s32 s21, $0x0;
	_ =	swait.ge [sflag:s5], $0x50  }
0x39: {  	[sflag:s5] =	ssyncset.done $0x0  }
0x3a: {  	[sflag:s5] =	ssyncadd.s32 $0xFFFFFFB0  }
0x3b: {  	[tilespmem:s7], [sflag:$0x1] =	stream.indirect.gather [hbm4b:s2+s6], $0x80, s3, s6, $0xb8;
	[tilespmem:$0x2880] =	vst v63  }
0x3c: {  	_ =	swait.ge [sflag:s8], $0x2800  }
0x3d: {  	[sflag:s8] =	ssyncset.done $0x0  }
0x3e: {  	[sflag:s8] =	ssyncadd.s32 $0xFFFFD800  }
0x3f: {  	[hbm4b:s9+s3] =	stream.linear.scatter [tilespmem:s7], [sflag:$0x2], $0x2800, $0x38;
	[tilespmem:$0x2880] =	vst v63  }
0x40: {  	_ =	swait.ge [sflag:s5], $0x2800  }
0x41: {  	[sflag:s5] =	ssyncset.done $0x0  }
0x42: {  	[sflag:s5] =	ssyncadd.s32 $0xFFFFD800  }
0x43: {  	[tilespmem:s3], [sflag:$0x2] =	stream.linear.gather [hbm4b:s10+s3], $0x50, $0x38;
	[tilespmem:$0x2880] =	vst v63  }
0x44: {  	_ =	swait.ge [sflag:s5], $0x50  }
0x45: {  	[sflag:s5] =	ssyncset.done $0x0  }
0x46: {  	[sflag:s5] =	ssyncadd.s32 $0xFFFFFFB0  }
0x47: {  	[tilespmem:s7], [sflag:$0x1] =	stream.indirect.gather [hbm4b:s2+s6], $0x80, s3, s6, $0xb8;
	[tilespmem:$0x2880] =	vst v63  }
0x48: {  	_ =	swait.ge [sflag:s8], $0x2800  }
0x49: {  	[sflag:s8] =	ssyncset.done $0x0  }
0x4a: {  	[sflag:s8] =	ssyncadd.s32 $0xFFFFD800  }
0x4b: {  	[hbm4b:s11+s3] =	stream.linear.scatter [tilespmem:s7], [sflag:$0x2], $0x2800, $0x38;
	[tilespmem:$0x2880] =	vst v63  }
0x4c: {  	_ =	swait.ge [sflag:s5], $0x2800  }
0x4d: {  	[sflag:s5] =	ssyncset.done $0x0  }
0x4e: {  	[sflag:s5] =	ssyncadd.s32 $0xFFFFD800  }
0x4f: {  	[tilespmem:s3], [sflag:$0x2] =	stream.linear.gather [hbm4b:s12+s3], $0x50, $0x38;
	[tilespmem:$0x2880] =	vst v63  }
0x50: {  	_ =	swait.ge [sflag:s5], $0x50  }
0x51: {  	[sflag:s5] =	ssyncset.done $0x0  }
0x52: {  	[sflag:s5] =	ssyncadd.s32 $0xFFFFFFB0  }
0x53: {  	[tilespmem:s7], [sflag:$0x1] =	stream.indirect.gather [hbm4b:s2+s6], $0x80, s3, s6, $0xb8;
	[tilespmem:$0x2880] =	vst v63  }
0x54: {  	_ =	swait.ge [sflag:s8], $0x2800  }
0x55: {  	[sflag:s8] =	ssyncset.done $0x0  }
0x56: {  	[sflag:s8] =	ssyncadd.s32 $0xFFFFD800  }
0x57: {  	[hbm4b:s13+s3] =	stream.linear.scatter [tilespmem:s7], [sflag:$0x2], $0x2800, $0x38;
	[tilespmem:$0x2880] =	vst v63  }
0x58: {  	_ =	swait.ge [sflag:s5], $0x2800  }
0x59: {  	[sflag:s5] =	ssyncset.done $0x0  }
0x5a: {  	[sflag:s5] =	ssyncadd.s32 $0xFFFFD800  }
0x5b: {  	[tilespmem:s16], [sflag:$0x2] =	stream.linear.gather @!p0 [hbm4b:s14+s16], $0x50, $0x38;
	[tilespmem:$0x2880] =	vst v63  }
0x5c: {  	_ =	swait.ge @!p0 [sflag:s15], $0x50  }
0x5d: {  	[sflag:s15] =	ssyncset.done @!p0 $0x0  }
0x5e: {  	[sflag:s15] =	ssyncadd.s32 @!p0 $0xFFFFFFB0  }
0x5f: {  	[tilespmem:s19], [sflag:$0x1] =	stream.indirect.gather @!p0 [hbm4b:s2+s18], $0x80, s16, s18, $0xb8;
	[tilespmem:$0x2880] =	vst v63  }
0x60: {  	_ =	swait.ge @!p0 [sflag:s17], $0x2800  }
.Ltmp1:
0x61: {  	[sflag:s17] =	ssyncset.done @!p0 $0x0;
	(pc) =	sbr.rel @p1 .LBB2_1-.Ltmp1, $4  }
0x62: {  	[sflag:s17] =	ssyncadd.s32 @!p0 $0xFFFFD800  }
0x63: {  	[hbm4b:s20+s16] =	stream.linear.scatter @!p0 [tilespmem:s19], [sflag:$0x2], $0x2800, $0x38;
	[tilespmem:$0x2880] =	vst v63  }
0x64: {  	_ =	swait.ge @!p0 [sflag:s15], $0x2800  }
0x65: {  	[sflag:s15] =	ssyncset.done @!p0 $0x0  }
.LBB2_2:
0x66: {  	[sflag:s15] =	ssyncadd.s32 @!p0 $0xFFFFD800  }
0x67: {  	_ =	sfence.sel $0x180000  }
0x68: {  	[bflag:$0x0] =	sbarrier.arrive $0xFFFF  }
0x69: {  	p0 =	sne.s32 s0, $0x0;
	_ =	strace $0x90000047  }
0x6a: {  	s0 =	sadd.s32 @!p0 $0x100000, s1;
	[bflag:$0x2] =	sbarrier.arrive $0xFFFF  }
0x6b: {  	[sflag:s0] =	ssyncadd.tile.s32 @!p0 $0x1;
	_ =	shalt  }
.Lfunc_end2:
_tile_overlayer_lowered:
.L_overlay_start_2:
0x6c: {  	(tag) =	ssettag $0x2  }
0x6d: {  	s0 =	rddreg [dreg:$0x0];
	s2 =	stileid.u32  }
0x6e: {  	s1 =	rddreg [dreg:$0x1];
	p0 =	sne.s32 s2, $0x0  }
0x6f: {  	s3 =	rddreg [dreg:$0x2];
	[bflag:$0x3] =	sbarrier.arrive $0xFFFF;
	s2 =	simm.s32 @!p0 $0x1C02  }
0x70: {  	[timem:s3], [sflag:s2] =	dma.local @!p0 [hbm:s0], s1  }
0x71: {  	s0 =	simm.s32 @!p0 $0x2  }
0x72: {  	_ =	swait.ge @!p0 [sflag:s0], s1  }
0x73: {  	s1 =	ssub.s32 @!p0 $0x0, s1;
	[sflag:s0] =	ssyncset.done @!p0 $0x0  }
0x74: {  	[sflag:s0] =	ssyncadd.s32 @!p0 s1  }
0x75: {  	[bflag:$0x3] =	sbarrier.arrive $0xFFFF  }
0x76: {  	_ =	shalt  }

// kernel: kernel.9.cloned.1.call-start
scs
__scs_entry_jumppad:
0x0: {  	(pc) =	sbr.rel $0x88, $3  }
0x1: {  	(tag) =	ssettag $0x0;
	lr =	simm.s32 $0x1  }
0x2: {  	[smem:$0x3F91] =	sst lr;
	_ =	strace $0xD0000000  }
0x3: {  	_ = 	snop  }
0x4: {  	_ = 	snop  }
0x5: {  	_ = 	snop  }
0x6: {  	_ = 	snop  }
0x7: {  	_ = 	snop  }
__scs_overlays_trampoline_lowered:
0x8: {  	[smem:$0x3FA0] =	sst s0  }
0x9: {  	[smem:$0x3FA1] =	sst s1  }
0xa: {  	[smem:$0x3FA2] =	sst s2  }
0xb: {  	[smem:$0x3FA3] =	sst s3  }
0xc: {  	[smem:$0x3FA4] =	sst s4  }
0xd: {  	[smem:$0x3FA5] =	sst s5  }
0xe: {  	[smem:$0x3FA6] =	sst s6  }
0xf: {  	[smem:$0x3FA7] =	sst s7  }
0x10: {  	[smem:$0x3FA8] =	sst s8  }
0x11: {  	[smem:$0x3FA9] =	sst s9;
	s0 =	simm.s32 @!p0 $0x0  }
0x12: {  	s1 =	sld [smem:$0x3F8F];
	s0 =	simm.s32 @p0 $0x1  }
0x13: {  	[smem:$0x3FAA] =	sst s0;
	s0 =	simm.s32 @!p1 $0x0  }
0x14: {  	s2 =	sld [smem:$0x3F8E];
	s0 =	simm.s32 @p1 $0x1  }
0x15: {  	[smem:$0x3FAB] =	sst s0;
	s0 =	simm.s32 @!p2 $0x0  }
0x16: {  	s3 =	sld [smem:$0x3FDB];
	s0 =	simm.s32 @p2 $0x1  }
0x17: {  	s4 =	simm.s32 $0x1BF5;
	[smem:$0x3FAD] =	sst s0  }
0x18: {  	s0 =	sld [smem:$0x3F90];
	_ =	swait.ge [sflag:s4], $0x0  }
0x19: {  	s7 =	sld [smem:$0x3F91]  }
0x1a: {  	s8 =	sadd.s32 $0xFFFFE003, lr  }
0x1b: {  	s9 =	sadd.s32 $0xFFFFFEF7, lr;
	s5 =	simm.s32 $0xFFFFFFFF;
	p2 =	slt.u32 s8, $0xFFFFF086  }
0x1c: {  	p1 =	slt.u32 s9, $0xF7A;
	s5 =	simm.s32 @!p2 $0x0  }
0x1d: {  	s5 =	simm.s32 @p1 $0x1;
	p0 =	seq.s32 s7, s2  }
0x1e: {  	s7 =	smul.u32 @!p0 $0xF7A, s2;
	p2 =	seq.s32 @!p0 s5, $0x0  }
0x1f: {  	s9 =	smul.u32 $0xF7A, s1;
	s8 =	simm.s32 @!p0 $0x1BF5;
	p2 =	por !p2, p0  }
0x20: {  	[sflag:s8] =	ssyncset.s32 @!p0 $0xFFFFF086;
	s6 =	sadd.s32 @!p0 s3, s7;
	s7 =	simm.s32 @!p0 $0x108  }
0x21: {  	s3 =	sadd.s32 s3, s9;
	s6 =	sadd.s32 @!p0 $0x88, s6;
	s7 =	simm.s32 @p2 $0x1082  }
0x22: {  	[simem:s7], [sflag:s8] =	dma.local @!p0 [hbm:s6], $0xF7A  }
0x23: {  	s9 =	sor.u32 $0xD0000000, s2;
	s6 =	simm.s32 $0x108;
	_ =	swait.ge @!p0 [sflag:s8], $0x0  }
0x24: {  	s3 =	sadd.s32 $0x88, s3;
	s6 =	simm.s32 @!p1 $0x1082;
	[sflag:s4] =	ssyncset.s32 $0xFFFFF086  }
0x25: {  	[simem:s6], [sflag:s4] =	dma.local [hbm:s3], $0xF7A  }
0x26: {  	[smem:$0x3F91] =	sst s1;
	(tag) =	ssettag s2;
	_ =	strace s9  }
0x27: {  	s1 =	sld [smem:$0x3FA1]  }
0x28: {  	s2 =	sld [smem:$0x3FA2]  }
0x29: {  	s4 =	sld [smem:$0x3FA4]  }
0x2a: {  	p0 =	seq.s32 s5, $0x0;
	s5 =	sld [smem:$0x3FA5]  }
0x2b: {  	s6 =	sld [smem:$0x3FA6]  }
0x2c: {  	s7 =	sld [smem:$0x3FA7]  }
0x2d: {  	s3 =	simm.s32 $0x108;
	s8 =	sld [smem:$0x3FA8]  }
0x2e: {  	s3 =	simm.s32 @!p0 $0x1082;
	s9 =	sld [smem:$0x3FA9]  }
0x2f: {  	lr =	sadd.s32 s0, s3;
	s0 =	sld [smem:$0x3FA0]  }
0x30: {  	s3 =	sld [smem:$0x3FA3]  }
0x31: {  	[smem:$0x3FAC] =	sst s10  }
0x32: {  	s10 =	sld [smem:$0x3FAA];
	_ =	sdelay $0x3  }
0x33: {  	p0 =	seq.s32 s10, $0x1;
	s10 =	sld [smem:$0x3FAC];
	_ =	sdelay $0x3  }
0x34: {  	[smem:$0x3FAC] =	sst s10  }
0x35: {  	s10 =	sld [smem:$0x3FAB];
	_ =	sdelay $0x3  }
0x36: {  	p1 =	seq.s32 s10, $0x1;
	s10 =	sld [smem:$0x3FAC];
	_ =	sdelay $0x3  }
0x37: {  	[smem:$0x3FAC] =	sst s10  }
0x38: {  	s10 =	sld [smem:$0x3FAD]  }
0x39: {  	_ = 	snop;
	(pc) =	sbr.ind lr, $3  }
0x3a: {  	_ = 	snop  }
0x3b: {  	_ = 	snop  }
0x3c: {  	p2 =	seq.s32 s10, $0x1;
	s10 =	sld [smem:$0x3FAC]  }
0x3d: {  	_ =	shalt  }
0x3e: {  	_ =	shalt  }
0x3f: {  	_ =	shalt  }
0x40: {  	_ =	shalt  }
0x41: {  	_ =	shalt  }
0x42: {  	_ =	shalt  }
0x43: {  	_ =	shalt  }
0x44: {  	_ =	shalt  }
0x45: {  	_ =	shalt  }
0x46: {  	_ =	shalt  }
0x47: {  	_ =	shalt  }
0x48: {  	_ =	shalt  }
0x49: {  	_ =	shalt  }
0x4a: {  	_ =	shalt  }
0x4b: {  	_ =	shalt  }
0x4c: {  	_ =	shalt  }
0x4d: {  	_ =	shalt  }
0x4e: {  	_ =	shalt  }
0x4f: {  	_ =	shalt  }
0x50: {  	_ =	shalt  }
0x51: {  	_ =	shalt  }
0x52: {  	_ =	shalt  }
0x53: {  	_ =	shalt  }
0x54: {  	_ =	shalt  }
0x55: {  	_ =	shalt  }
0x56: {  	_ =	shalt  }
0x57: {  	_ =	shalt  }
0x58: {  	_ =	shalt  }
0x59: {  	_ =	shalt  }
0x5a: {  	_ =	shalt  }
0x5b: {  	_ =	shalt  }
0x5c: {  	_ =	shalt  }
0x5d: {  	_ =	shalt  }
0x5e: {  	_ =	shalt  }
0x5f: {  	_ =	shalt  }
0x60: {  	_ =	shalt  }
0x61: {  	_ =	shalt  }
0x62: {  	_ =	shalt  }
0x63: {  	_ =	shalt  }
0x64: {  	_ =	shalt  }
0x65: {  	_ =	shalt  }
0x66: {  	_ =	shalt  }
0x67: {  	_ =	shalt  }
0x68: {  	_ =	shalt  }
0x69: {  	_ =	shalt  }
0x6a: {  	_ =	shalt  }
0x6b: {  	_ =	shalt  }
0x6c: {  	_ =	shalt  }
0x6d: {  	_ =	shalt  }
0x6e: {  	_ =	shalt  }
0x6f: {  	_ =	shalt  }
0x70: {  	_ =	shalt  }
0x71: {  	_ =	shalt  }
0x72: {  	_ =	shalt  }
0x73: {  	_ =	shalt  }
0x74: {  	_ =	shalt  }
0x75: {  	_ =	shalt  }
0x76: {  	_ =	shalt  }
0x77: {  	_ =	shalt  }
0x78: {  	_ =	shalt  }
0x79: {  	_ =	shalt  }
0x7a: {  	_ =	shalt  }
0x7b: {  	_ =	shalt  }
0x7c: {  	_ =	shalt  }
0x7d: {  	_ =	shalt  }
0x7e: {  	_ =	shalt  }
0x7f: {  	_ =	shalt  }
0x80: {  	_ =	shalt  }
0x81: {  	_ =	shalt  }
0x82: {  	_ =	shalt  }
0x83: {  	_ =	shalt  }
0x84: {  	_ =	shalt  }
0x85: {  	_ =	shalt  }
0x86: {  	_ =	shalt  }
0x87: {  	_ =	shalt  }
.Lfunc_end0:
.L_simem_size_0:
called_computation.1_lowered:
.L_overlay_start_0:
0x88: {  	s2 =	sld [smem:$0x3FD9]  }
0x89: {  	s3 =	sld [smem:$0x3FFE];
	_ =	sdelay $0x1  }
0x8a: {  	s1 =	srdreg.scid  }
0x8b: {  	s0 =	sand.u32 $0x1, s1  }
0x8c: {  	s16 =	sshll.u32 s0, $0xA;
	s2 =	sadd.s32 s3, s2  }
0x8d: {  	s2 =	sadd.s32 s2, s16  }
0x8e: {  	[smem:$0x3FB8] =	sst s2  }
0x8f: {  	_ = 	snop  }
0x90: {  	(tm) =	ssettm $0x1  }
0x91: {  	s17 =	sld [smem:$0x3FFB];
	_ =	sdelay $0x3  }
0x92: {  	_ =	strace s17  }
0x93: {  	s2 =	sld [smem:$0x3FFC];
	_ =	sdelay $0x3  }
0x94: {  	_ =	strace s2  }
0x95: {  	s2 =	sld [smem:$0x3FFD];
	_ =	sdelay $0x3  }
0x96: {  	_ =	strace s2  }
0x97: {  	_ =	strace $0x8FFFFFFF  }
0x98: {  	s18 =	sld [smem:$0x3FDB];
	_ =	sdelay $0x1  }
0x99: {  	s19 =	simm.s32 $_scs_section_size  }
0x9a: {  	s4 =	simm.s32 $_size__tile_overlayer_lowered;
	s5 =	simm.s32 $_tile_overlayer_lowered  }
0x9b: {  	s22 =	simm.s32 $0x1BFF;
	s21 =	sshll.u32 s5, $0x1;
	s2 =	sadd.s32 s19, s18  }
0x9c: {  	s6 =	simm.s32 $0x0;
	s20 =	sshll.u32 s4, $0x1;
	s4 =	sadd.s32 s21, s2  }
0x9d: {  	[timem:s6], [sflag:s22] =	dma.local [hbm:s4], s20  }
0x9e: {  	_ =	swait.ge [sflag:s22], s20  }
0x9f: {  	s3 =	ssub.s32 $0x0, s20;
	[sflag:s22] =	ssyncset.done $0x0  }
0xa0: {  	[sflag:s22] =	ssyncadd.s32 s3;
	_ =	sdelay $0x1  }
0xa1: {  	s23 =	simm.s32 $0x1B8B  }
0xa2: {  	_ =	swait.ge [sflag:s23], $0x1  }
0xa3: {  	[sflag:s23] =	ssyncset.done $0x0  }
0xa4: {  	s25 =	simm.s32 $0x1B8E;
	s24 =	sld [smem:$0x3FFE];
	[sflag:s23] =	ssyncadd.s32 $0xFFFFFFFF  }
0xa5: {  	s26 =	simm.s32 $execute0_lowered;
	[smem:$0x3FD2] =	sst s25  }
0xa6: {  	s4 =	sshll.u32 s26, $0x1;
	_ =	strace $0x80000049;
	[dreg:$0x1] =	wrdreg $0xFFFFFFFF  }
0xa7: {  	s28 =	simm.s32 $_size_execute0_lowered;
	s2 =	sadd.s32 s2, s4;
	[dreg:$0x0] =	wrdreg $0x0  }
0xa8: {  	s4 =	sshll.u32 s28, $0x1;
	[dreg:$0x2] =	wrdreg s2  }
0xa9: {  	[dreg:$0x3] =	wrdreg s4  }
0xaa: {  	[dreg:$0x4] =	wrdreg $0xC0  }
0xab: {  	_ =	task [dreg:s6], $0x5FFFF  }
0xac: {  	[dreg:$0x1] =	wrdreg $0xFFFFFFFF  }
0xad: {  	[dreg:$0x0] =	wrdreg $0x60  }
0xae: {  	[dreg:$0x2] =	wrdreg s24  }
0xaf: {  	[dreg:$0x3] =	wrdreg $0xA8000  }
0xb0: {  	[dreg:$0x4] =	wrdreg $0x9  }
0xb1: {  	_ =	task.clear_ibuf [dreg:s6], $0x5FFFF;
	_ =	strace $0x90000049  }
0xb2: {  	s29 =	simm.s32 $0x9;
	_ =	strace $0x8000004B  }
0xb3: {  	_ =	swait.ge [sflag:s29], $0x1  }
0xb4: {  	[sflag:s29] =	ssyncadd.s32 $0xFFFFFFFF  }
0xb5: {  	_ =	strace $0x9000004B  }
0xb6: {  	_ =	sfence  }
0xb7: {  	s30 =	sld [smem:$0x0];
	_ =	sdelay $0x2  }
0xb8: {  	s31 =	sshll.u32 s1, $0xD;
	s1 =	sshrl.u32 s1, $0x2  }
0xb9: {  	s3 =	sand.u32 $0x4000, s31;
	s1 =	sadd.s32 s1, s30  }
0xba: {  	s0 =	sor.u32 s3, s0;
	s1 =	sshll.u32 s1, $0x11  }
0xbb: {  	s0 =	sor.u32 s1, s0  }
0xbc: {  	s0 =	sadd.s32 $0x8F2B, s0  }
0xbd: {  	[sflag:s0] =	ssyncadd.remote.s32 $0x1  }
0xbe: {  	_ =	sfence.sel $0xFFFF  }
0xbf: {  	[dreg:$0x0] =	wrdreg $0xFFFFFFFF;
	(pc) =	sbr.abs _section_cstart, $3  }
0xc0: {  	[dreg:$0x1] =	wrdreg $0xFFFFFFFF  }
0xc1: {  	_ =	task.clear_ibuf [dreg:s6], $0x2FFFF;
	_ =	strace $0x9FFFFFFF  }
0xc2: {  	(tm) =	ssettm $0x7FFFFFFF  }
0xc3: {  	_ =	shalt  }
tec
execute0_lowered:
.L_overlay_start_1:
0x0: {  	(tag) =	ssettag $0x1  }
0x1: {  	s6 =	rddreg [dreg:$0x0]  }
0x2: {  	s1 =	rddreg [dreg:$0x1];
	s2 =	simm.s32 $0x0  }
0x3: {  	s5 =	srdreg.scid;
	s3 =	stileid.u32;
	s18 =	simm.s32 $0x80  }
0x4: {  	s19 =	simm.s32 $0x2800;
	s20 =	simm.s32 $0x6800;
	s21 =	simm.s32 $0x1  }
0x5: {  	s22 =	simm.s32 $0x2;
	s23 =	simm.s32 $0x1380;
	s24 =	simm.s32 $0x2700  }
0x6: {  	[smem:$0x7FF] =	sst s2;
	s4 =	sadd.s32 $0x2200, s6;
	s8 =	sadd.s32 $0x29400, s6  }
0x7: {  	s9 =	sadd.s32 $0x33400, s6;
	s7 =	sand.u32 $0x1, s5;
	s25 =	sshll.u32 s3, $0x1  }
0x8: {  	s12 =	smul.u32 $0x4E000, s3;
	s5 =	sadd.s32 $0x3D400, s6;
	s14 =	sadd.s32 $0x3FC00, s6  }
0x9: {  	s16 =	sadd.s32 $0x124800, s1;
	s17 =	smul.u32 $0x13800, s3;
	p0 =	seq.s32 s3, $0xF  }
0xa: {  	_ =	strace $0x8000004A;
	s10 =	ssub.s32 $0x2, s7;
	s11 =	sor.u32 s7, s25  }
0xb: {  	s29 =	smul.u32 $0x138800, s7;
	s25 =	simm.s32 $0x2780;
	s13 =	sshrl.u32 s10, $0x1  }
0xc: {  	s11 =	smul.u32 $0x2800, s11;
	s26 =	sshrl.u32 s12, $0x2;
	s13 =	ssub.s32 s10, s13  }
0xd: {  	s15 =	sadd.s32 s26, s1;
	s31 =	sadd.s32 s17, s29;
	s17 =	simm.s32 $0x1400  }
0xe: {  	s26 =	simm.s32 $0x0;
	s28 =	sshrl.u32 s11, $0x3;
	s11 =	sshrl.u32 s29, $0x3  }
0xf: {  	s10 =	sshrl.u32 s31, $0x3;
	s12 =	smax.u32 s13, $0x1;
	s13 =	sshrl.u32 @p0 s16, $0x3  }
0x10: {  	s15 =	sshrl.u32 @!p0 s15, $0x3;
	s16 =	simm.s32 $0x3;
	s30 =	sadd.s32 $0x280, s28  }
0x11: {  	s6 =	sadd.s32 s8, s28;
	s7 =	sadd.s32 s9, s28;
	s11 =	sadd.s32 s14, s11  }
0x12: {  	s10 =	sadd.s32 s14, s10;
	s14 =	sshll.u32 @!p0 s3, $0x6;
	s8 =	sadd.s32 s8, s30  }
0x13: {  	s9 =	sadd.s32 s9, s30;
	s11 =	sadd.s32 $0x24900, s11;
	s14 =	sor.u32 @!p0 $0x1C03, s14  }
.LBB2_1:
0x14: {  	s28 =	simm.s32 @p0 $0x1FC3  }
0x15: {  	[spmem:s13], [sflag:s28] =	dma.local @p0 [hbm:s5], $0x2800  }
0x16: {  	s28 =	simm.s32 @p0 $0x3  }
0x17: {  	_ =	swait.ge @p0 [sflag:s28], $0x2800  }
0x18: {  	[sflag:s28] =	ssyncset.done @p0 $0x0  }
0x19: {  	[sflag:s28] =	ssyncadd.s32 @p0 $0xFFFFD800;
	s28 =	simm.s32 @!p0 $0x3  }
0x1a: {  	[spmem:s15], [sflag:s14] =	dma.local @!p0 [hbm:s5], $0x2700  }
0x1b: {  	_ =	swait.ge @!p0 [sflag:s28], $0x2700  }
0x1c: {  	[sflag:s28] =	ssyncset.done @!p0 $0x0  }
0x1d: {  	[sflag:s28] =	ssyncadd.s32 @!p0 $0xFFFFD900  }
0x1e: {  	[bflag:$0x0] =	sbarrier.arrive $0xFFFF  }
0x1f: {  	[tilespmem:s2], [sflag:$0x3] =	stream.linear.gather [hbm4b:s6+s2], $0x1400, $0x38;
	[tilespmem:$0x1E280] =	vst v63  }
0x20: {  	_ =	swait.ge [sflag:s16], $0x1400  }
0x21: {  	[sflag:s16] =	ssyncset.done $0x0  }
0x22: {  	[sflag:s16] =	ssyncadd.s32 $0xFFFFEC00  }
0x23: {  	[tilespmem:s17], [sflag:$0x3] =	stream.linear.gather [hbm4b:s7+s2], $0x1400, $0x38;
	[tilespmem:$0x1E280] =	vst v63  }
0x24: {  	_ =	swait.ge [sflag:s16], $0x1400  }
0x25: {  	[sflag:s16] =	ssyncset.done $0x0  }
0x26: {  	[sflag:s16] =	ssyncadd.s32 $0xFFFFEC00  }
0x27: {  	[tilespmem:s19], [sflag:$0x1] =	stream.indirect.gather [hbm4b:s4+s18], $0x80, s2, s18, $0xb8;
	[tilespmem:$0x1E280] =	vst v63  }
0x28: {  	s28 =	simm.s32 $0x80  }
0x29: {  	[tilespmem:s20], [sflag:$0x2] =	stream.indirect.gather [hbm4b:s4+s18], $0x80, s28, s18, $0xb8;
	[tilespmem:$0x1E280] =	vst v63  }
0x2a: {  	_ =	swait.ge [sflag:s21], $0x4000  }
0x2b: {  	[sflag:s21] =	ssyncset.done $0x0  }
0x2c: {  	s28 =	simm.s32 $0x1400;
	[sflag:s21] =	ssyncadd.s32 $0xFFFFC000  }
0x2d: {  	[spmem:s1] =	stream.indirect.scatter.add.f32 [tilespmem:s19], [sflag:$0x3], $0x80, s28, s18, $0xb8;
	[tilespmem:$0x1E280] =	vst v63  }
0x2e: {  	_ =	swait.ge [sflag:s16], $0x4000  }
0x2f: {  	[sflag:s16] =	ssyncset.done $0x0  }
0x30: {  	s28 =	simm.s32 $0x100;
	[sflag:s16] =	ssyncadd.s32 $0xFFFFC000  }
0x31: {  	[tilespmem:s19], [sflag:$0x1] =	stream.indirect.gather [hbm4b:s4+s18], $0x80, s28, s18, $0xb8;
	[tilespmem:$0x1E280] =	vst v63  }
0x32: {  	_ =	swait.ge [sflag:s22], $0x4000  }
0x33: {  	[sflag:s22] =	ssyncset.done $0x0  }
0x34: {  	s28 =	simm.s32 $0x1480;
	[sflag:s22] =	ssyncadd.s32 $0xFFFFC000  }
0x35: {  	[spmem:s1] =	stream.indirect.scatter.add.f32 [tilespmem:s20], [sflag:$0x3], $0x80, s28, s18, $0xb8;
	[tilespmem:$0x1E280] =	vst v63  }
0x36: {  	_ =	swait.ge [sflag:s16], $0x4000  }
0x37: {  	s29 =	simm.s32 $0x800;
	s28 =	simm.s32 $0x100;
	[sflag:s16] =	ssyncset.done $0x0  }
.LBB2_2:
0x38: {  	s30 =	sadd.s32 $0x80, s28  }
0x39: {  	[sflag:s16] =	ssyncadd.s32 $0xFFFFC000;
	s31 =	smov.u32 s29;
	s0 =	sadd.s32 $0x400, s29  }
0x3a: {  	[tilespmem:s20], [sflag:$0x2] =	stream.indirect.gather [hbm4b:s4+s18], $0x80, s30, s18, $0xb8;
	[tilespmem:$0x1E280] =	vst v63  }
0x3b: {  	p1 =	sne.s32 s29, $0x4800;
	_ =	swait.ge [sflag:s21], $0x4000  }
0x3c: {  	[sflag:s21] =	ssyncset.done $0x0  }
0x3d: {  	s29 =	sadd.s32 $0x1400, s28;
	[sflag:s21] =	ssyncadd.s32 $0xFFFFC000  }
0x3e: {  	[spmem:s1] =	stream.indirect.scatter.add.f32 [tilespmem:s19], [sflag:$0x3], $0x80, s29, s18, $0xb8;
	[tilespmem:$0x1E280] =	vst v63  }
0x3f: {  	_ =	swait.ge [sflag:s16], $0x4000  }
0x40: {  	[sflag:s16] =	ssyncset.done $0x0  }
0x41: {  	s29 =	sadd.s32 $0x100, s28;
	[sflag:s16] =	ssyncadd.s32 $0xFFFFC000  }
0x42: {  	[tilespmem:s19], [sflag:$0x1] =	stream.indirect.gather [hbm4b:s4+s18], $0x80, s29, s18, $0xb8;
	[tilespmem:$0x1E280] =	vst v63  }
0x43: {  	_ =	swait.ge [sflag:s22], $0x4000  }
.Ltmp0:
0x44: {  	[sflag:s22] =	ssyncset.done $0x0;
	(pc) =	sbr.rel @p1 .LBB2_2-.Ltmp0, $4  }
0x45: {  	s28 =	sadd.s32 $0x1480, s28;
	[sflag:s22] =	ssyncadd.s32 $0xFFFFC000  }
0x46: {  	[spmem:s1] =	stream.indirect.scatter.add.f32 [tilespmem:s20], [sflag:$0x3], $0x80, s28, s18, $0xb8;
	[tilespmem:$0x1E280] =	vst v63  }
0x47: {  	_ =	swait.ge [sflag:s16], $0x4000  }
0x48: {  	s29 =	smov.u32 s0;
	s28 =	sshra.s32 s31, $0x2;
	[sflag:s16] =	ssyncset.done $0x0  }
0x49: {  	s0 =	sadd.s32 $0x80, s28;
	[sflag:s16] =	ssyncadd.s32 $0xFFFFC000  }
0x4a: {  	[tilespmem:s20], [sflag:$0x2] =	stream.indirect.gather [hbm4b:s4+s18], $0x80, s0, s18, $0xb8;
	[tilespmem:$0x1E280] =	vst v63  }
0x4b: {  	_ =	swait.ge [sflag:s21], $0x4000  }
0x4c: {  	[sflag:s21] =	ssyncset.done $0x0  }
0x4d: {  	s30 =	sadd.s32 $0x1400, s28;
	[sflag:s21] =	ssyncadd.s32 $0xFFFFC000  }
0x4e: {  	[spmem:s1] =	stream.indirect.scatter.add.f32 [tilespmem:s19], [sflag:$0x3], $0x80, s30, s18, $0xb8;
	[tilespmem:$0x1E280] =	vst v63  }
0x4f: {  	_ =	swait.ge [sflag:s16], $0x4000  }
0x50: {  	[sflag:s16] =	ssyncset.done $0x0  }
0x51: {  	s31 =	sadd.s32 $0x100, s28;
	[sflag:s16] =	ssyncadd.s32 $0xFFFFC000  }
0x52: {  	[tilespmem:s19], [sflag:$0x1] =	stream.indirect.gather [hbm4b:s4+s18], $0x80, s31, s18, $0xb8;
	[tilespmem:$0x1E280] =	vst v63  }
0x53: {  	_ =	swait.ge [sflag:s22], $0x4000  }
0x54: {  	[sflag:s22] =	ssyncset.done $0x0  }
0x55: {  	s30 =	sadd.s32 $0x1480, s28;
	[sflag:s22] =	ssyncadd.s32 $0xFFFFC000  }
0x56: {  	[spmem:s1] =	stream.indirect.scatter.add.f32 [tilespmem:s20], [sflag:$0x3], $0x80, s30, s18, $0xb8;
	[tilespmem:$0x1E280] =	vst v63  }
0x57: {  	_ =	swait.ge [sflag:s16], $0x4000  }
0x58: {  	[sflag:s16] =	ssyncset.done $0x0  }
0x59: {  	[sflag:s16] =	ssyncadd.s32 $0xFFFFC000  }
0x5a: {  	[tilespmem:s20], [sflag:$0x2] =	stream.indirect.gather [hbm4b:s4+s18], $0x80, s23, s18, $0xb8;
	[tilespmem:$0x1E280] =	vst v63  }
0x5b: {  	_ =	swait.ge [sflag:s21], $0x4000  }
0x5c: {  	[sflag:s21] =	ssyncset.done $0x0  }
0x5d: {  	[sflag:s21] =	ssyncadd.s32 $0xFFFFC000  }
0x5e: {  	[spmem:s1] =	stream.indirect.scatter.add.f32 [tilespmem:s19], [sflag:$0x3], $0x80, s24, s18, $0xb8;
	[tilespmem:$0x1E280] =	vst v63  }
0x5f: {  	_ =	swait.ge [sflag:s16], $0x4000  }
0x60: {  	[sflag:s16] =	ssyncset.done $0x0  }
0x61: {  	[sflag:s16] =	ssyncadd.s32 $0xFFFFC000  }
0x62: {  	_ =	swait.ge [sflag:s22], $0x4000  }
0x63: {  	[sflag:s22] =	ssyncset.done $0x0  }
0x64: {  	[sflag:s22] =	ssyncadd.s32 $0xFFFFC000  }
0x65: {  	[spmem:s1] =	stream.indirect.scatter.add.f32 [tilespmem:s20], [sflag:$0x3], $0x80, s25, s18, $0xb8;
	[tilespmem:$0x1E280] =	vst v63  }
0x66: {  	_ =	swait.ge [sflag:s16], $0x4000  }
0x67: {  	[sflag:s16] =	ssyncset.done $0x0  }
0x68: {  	s31 =	simm.s32 $0x0;
	[sflag:s16] =	ssyncadd.s32 $0xFFFFC000  }
0x69: {  	[tilespmem:s31], [sflag:$0x3] =	stream.linear.gather [hbm4b:s8+s31], $0x1400, $0x38;
	[tilespmem:$0x1E280] =	vst v63  }
0x6a: {  	_ =	swait.ge [sflag:s16], $0x1400  }
0x6b: {  	[sflag:s16] =	ssyncset.done $0x0  }
0x6c: {  	[sflag:s16] =	ssyncadd.s32 $0xFFFFEC00  }
0x6d: {  	[tilespmem:s17], [sflag:$0x3] =	stream.linear.gather [hbm4b:s9+s31], $0x1400, $0x38;
	[tilespmem:$0x1E280] =	vst v63  }
0x6e: {  	_ =	swait.ge [sflag:s16], $0x1400  }
0x6f: {  	[sflag:s16] =	ssyncset.done $0x0  }
0x70: {  	[sflag:s16] =	ssyncadd.s32 $0xFFFFEC00  }
0x71: {  	[tilespmem:s19], [sflag:$0x1] =	stream.indirect.gather [hbm4b:s4+s18], $0x80, s31, s18, $0xb8;
	[tilespmem:$0x1E280] =	vst v63  }
0x72: {  	s30 =	simm.s32 $0x80  }
0x73: {  	[tilespmem:s20], [sflag:$0x2] =	stream.indirect.gather [hbm4b:s4+s18], $0x80, s30, s18, $0xb8;
	[tilespmem:$0x1E280] =	vst v63  }
0x74: {  	_ =	swait.ge [sflag:s21], $0x4000  }
0x75: {  	[sflag:s21] =	ssyncset.done $0x0  }
0x76: {  	s31 =	simm.s32 $0x1400;
	[sflag:s21] =	ssyncadd.s32 $0xFFFFC000  }
0x77: {  	[spmem:s1] =	stream.indirect.scatter.add.f32 [tilespmem:s19], [sflag:$0x3], $0x80, s31, s18, $0xb8;
	[tilespmem:$0x1E280] =	vst v63  }
0x78: {  	_ =	swait.ge [sflag:s16], $0x4000  }
0x79: {  	[sflag:s16] =	ssyncset.done $0x0  }
0x7a: {  	s30 =	simm.s32 $0x100;
	[sflag:s16] =	ssyncadd.s32 $0xFFFFC000  }
0x7b: {  	[tilespmem:s19], [sflag:$0x1] =	stream.indirect.gather [hbm4b:s4+s18], $0x80, s30, s18, $0xb8;
	[tilespmem:$0x1E280] =	vst v63  }
0x7c: {  	_ =	swait.ge [sflag:s22], $0x4000  }
0x7d: {  	[sflag:s22] =	ssyncset.done $0x0  }
0x7e: {  	s31 =	simm.s32 $0x1480;
	[sflag:s22] =	ssyncadd.s32 $0xFFFFC000  }
0x7f: {  	[spmem:s1] =	stream.indirect.scatter.add.f32 [tilespmem:s20], [sflag:$0x3], $0x80, s31, s18, $0xb8;
	[tilespmem:$0x1E280] =	vst v63  }
0x80: {  	_ =	swait.ge [sflag:s16], $0x4000  }
0x81: {  	s29 =	simm.s32 $0x800;
	s28 =	simm.s32 $0x100;
	[sflag:s16] =	ssyncset.done $0x0  }
.LBB2_4:
0x82: {  	s0 =	sadd.s32 $0x80, s28  }
0x83: {  	[sflag:s16] =	ssyncadd.s32 $0xFFFFC000;
	s30 =	smov.u32 s29;
	s31 =	sadd.s32 $0x400, s29  }
0x84: {  	[tilespmem:s20], [sflag:$0x2] =	stream.indirect.gather [hbm4b:s4+s18], $0x80, s0, s18, $0xb8;
	[tilespmem:$0x1E280] =	vst v63  }
0x85: {  	p1 =	sne.s32 s29, $0x4800;
	_ =	swait.ge [sflag:s21], $0x4000  }
0x86: {  	[sflag:s21] =	ssyncset.done $0x0  }
0x87: {  	s0 =	sadd.s32 $0x1400, s28;
	[sflag:s21] =	ssyncadd.s32 $0xFFFFC000  }
0x88: {  	[spmem:s1] =	stream.indirect.scatter.add.f32 [tilespmem:s19], [sflag:$0x3], $0x80, s0, s18, $0xb8;
	[tilespmem:$0x1E280] =	vst v63  }
0x89: {  	_ =	swait.ge [sflag:s16], $0x4000  }
0x8a: {  	[sflag:s16] =	ssyncset.done $0x0  }
0x8b: {  	s0 =	sadd.s32 $0x100, s28;
	[sflag:s16] =	ssyncadd.s32 $0xFFFFC000  }
0x8c: {  	[tilespmem:s19], [sflag:$0x1] =	stream.indirect.gather [hbm4b:s4+s18], $0x80, s0, s18, $0xb8;
	[tilespmem:$0x1E280] =	vst v63  }
0x8d: {  	_ =	swait.ge [sflag:s22], $0x4000  }
.Ltmp1:
0x8e: {  	[sflag:s22] =	ssyncset.done $0x0;
	(pc) =	sbr.rel @p1 .LBB2_4-.Ltmp1, $4  }
0x8f: {  	s0 =	sadd.s32 $0x1480, s28;
	[sflag:s22] =	ssyncadd.s32 $0xFFFFC000  }
0x90: {  	[spmem:s1] =	stream.indirect.scatter.add.f32 [tilespmem:s20], [sflag:$0x3], $0x80, s0, s18, $0xb8;
	[tilespmem:$0x1E280] =	vst v63  }
0x91: {  	_ =	swait.ge [sflag:s16], $0x4000  }
0x92: {  	s29 =	smov.u32 s31;
	s28 =	sshra.s32 s30, $0x2;
	[sflag:s16] =	ssyncset.done $0x0  }
0x93: {  	s0 =	sadd.s32 $0x80, s28;
	[sflag:s16] =	ssyncadd.s32 $0xFFFFC000  }
0x94: {  	[tilespmem:s20], [sflag:$0x2] =	stream.indirect.gather [hbm4b:s4+s18], $0x80, s0, s18, $0xb8;
	[tilespmem:$0x1E280] =	vst v63  }
0x95: {  	_ =	swait.ge [sflag:s21], $0x4000  }
0x96: {  	[sflag:s21] =	ssyncset.done $0x0  }
0x97: {  	s29 =	sadd.s32 $0x1400, s28;
	[sflag:s21] =	ssyncadd.s32 $0xFFFFC000  }
0x98: {  	[spmem:s1] =	stream.indirect.scatter.add.f32 [tilespmem:s19], [sflag:$0x3], $0x80, s29, s18, $0xb8;
	[tilespmem:$0x1E280] =	vst v63  }
0x99: {  	_ =	swait.ge [sflag:s16], $0x4000  }
0x9a: {  	[sflag:s16] =	ssyncset.done $0x0  }
0x9b: {  	s30 =	sadd.s32 $0x100, s28;
	[sflag:s16] =	ssyncadd.s32 $0xFFFFC000  }
0x9c: {  	[tilespmem:s19], [sflag:$0x1] =	stream.indirect.gather [hbm4b:s4+s18], $0x80, s30, s18, $0xb8;
	[tilespmem:$0x1E280] =	vst v63  }
0x9d: {  	_ =	swait.ge [sflag:s22], $0x4000  }
0x9e: {  	[sflag:s22] =	ssyncset.done $0x0  }
0x9f: {  	s31 =	sadd.s32 $0x1480, s28;
	[sflag:s22] =	ssyncadd.s32 $0xFFFFC000  }
0xa0: {  	[spmem:s1] =	stream.indirect.scatter.add.f32 [tilespmem:s20], [sflag:$0x3], $0x80, s31, s18, $0xb8;
	[tilespmem:$0x1E280] =	vst v63  }
0xa1: {  	_ =	swait.ge [sflag:s16], $0x4000  }
0xa2: {  	[sflag:s16] =	ssyncset.done $0x0  }
0xa3: {  	[sflag:s16] =	ssyncadd.s32 $0xFFFFC000  }
0xa4: {  	[tilespmem:s20], [sflag:$0x2] =	stream.indirect.gather [hbm4b:s4+s18], $0x80, s23, s18, $0xb8;
	[tilespmem:$0x1E280] =	vst v63  }
0xa5: {  	_ =	swait.ge [sflag:s21], $0x4000  }
0xa6: {  	[sflag:s21] =	ssyncset.done $0x0  }
0xa7: {  	[sflag:s21] =	ssyncadd.s32 $0xFFFFC000  }
0xa8: {  	[spmem:s1] =	stream.indirect.scatter.add.f32 [tilespmem:s19], [sflag:$0x3], $0x80, s24, s18, $0xb8;
	[tilespmem:$0x1E280] =	vst v63  }
0xa9: {  	_ =	swait.ge [sflag:s16], $0x4000  }
0xaa: {  	[sflag:s16] =	ssyncset.done $0x0  }
0xab: {  	[sflag:s16] =	ssyncadd.s32 $0xFFFFC000  }
0xac: {  	_ =	swait.ge [sflag:s22], $0x4000  }
0xad: {  	[sflag:s22] =	ssyncset.done $0x0  }
0xae: {  	[sflag:s22] =	ssyncadd.s32 $0xFFFFC000  }
0xaf: {  	[spmem:s1] =	stream.indirect.scatter.add.f32 [tilespmem:s20], [sflag:$0x3], $0x80, s25, s18, $0xb8;
	[tilespmem:$0x1E280] =	vst v63  }
0xb0: {  	_ =	swait.ge [sflag:s16], $0x4000  }
0xb1: {  	[sflag:s16] =	ssyncset.done $0x0  }
0xb2: {  	[sflag:s16] =	ssyncadd.s32 $0xFFFFC000  }
0xb3: {  	s0 =	simm.s32 @p0 $0x1FC3;
	[bflag:$0x0] =	sbarrier.arrive $0xFFFF  }
0xb4: {  	[hbm:s11], [sflag:s0] =	dma.local @p0 [spmem:s13], $0x2800  }
0xb5: {  	s0 =	simm.s32 @p0 $0x3  }
0xb6: {  	s26 =	sadd.s32 $0x1, s26;
	_ =	swait.ge @p0 [sflag:s0], $0x2800  }
0xb7: {  	p1 =	sne.s32 s26, s12;
	[sflag:s0] =	ssyncset.done @p0 $0x0  }
.Ltmp2:
0xb8: {  	[sflag:s0] =	ssyncadd.s32 @p0 $0xFFFFD800;
	s0 =	simm.s32 @!p0 $0x3;
	(pc) =	sbr.rel @p1 .LBB2_1-.Ltmp2, $4  }
0xb9: {  	[hbm:s10], [sflag:s14] =	dma.local @!p0 [spmem:s15], $0x2700  }
0xba: {  	_ =	swait.ge @!p0 [sflag:s0], $0x2700  }
0xbb: {  	[sflag:s0] =	ssyncset.done @!p0 $0x0  }
0xbc: {  	[sflag:s0] =	ssyncadd.s32 @!p0 $0xFFFFD900  }
0xbd: {  	_ =	sfence.sel $0x180000  }
0xbe: {  	[bflag:$0x0] =	sbarrier.arrive $0xFFFF  }
0xbf: {  	_ =	strace $0x9000004A  }
0xc0: {  	[bflag:$0x2] =	sbarrier.arrive $0xFFFF  }
0xc1: {  	p0 =	sne.s32 s3, $0x0;
	s0 =	rddreg [dreg:$0x2]  }
0xc2: {  	s0 =	sadd.s32 @!p0 $0x100000, s0  }
0xc3: {  	[sflag:s0] =	ssyncadd.tile.s32 @!p0 $0x1;
	_ =	shalt  }
.Lfunc_end2:
_tile_overlayer_lowered:
.L_overlay_start_2:
0xc4: {  	(tag) =	ssettag $0x2  }
0xc5: {  	s0 =	rddreg [dreg:$0x0];
	s2 =	stileid.u32  }
0xc6: {  	s1 =	rddreg [dreg:$0x1];
	p0 =	sne.s32 s2, $0x0  }
0xc7: {  	s3 =	rddreg [dreg:$0x2];
	[bflag:$0x3] =	sbarrier.arrive $0xFFFF;
	s2 =	simm.s32 @!p0 $0x1C03  }
0xc8: {  	[timem:s3], [sflag:s2] =	dma.local @!p0 [hbm:s0], s1  }
0xc9: {  	s0 =	simm.s32 @!p0 $0x3  }
0xca: {  	_ =	swait.ge @!p0 [sflag:s0], s1  }
0xcb: {  	s1 =	ssub.s32 @!p0 $0x0, s1;
	[sflag:s0] =	ssyncset.done @!p0 $0x0  }
0xcc: {  	[sflag:s0] =	ssyncadd.s32 @!p0 s1  }
0xcd: {  	[bflag:$0x3] =	sbarrier.arrive $0xFFFF  }
0xce: {  	_ =	shalt  }

</sc_bundles>
